<compile_context>
chip_gen: v7x
topology: tpu7x:2x2x1
jax: 0.10.2.dev20260603
libtpu: 0.0.44.dev20260713+nightly
codegen_flags: <defaults>
</compile_context>

<pallas_src>
import jax
import jax.numpy as jnp
from jax.experimental import pallas as pl
from jax.experimental.pallas import tpu as pltpu
from jax.experimental.pallas import tpu_sc as plsc


_WB = 64
_LANES = 16


def kernel(inputs, row_embeddings, col_embeddings):
    b, h, w, c = inputs.shape
    wb = _WB
    mesh = plsc.VectorSubcoreMesh(core_axis_name="core", subcore_axis_name="subcore")

    @pl.kernel(
        out_type=jax.ShapeDtypeStruct((b, h, w, c), inputs.dtype),
        mesh=mesh,
        scratch_types=[],
    )
    def sc_kernel(x_hbm, row_hbm, col_hbm, o_hbm):
        def body(x_vmem, row_vmem, col_vmem, o_vmem):
            rvs = [
                row_vmem.at[0, pl.ds(cc, _LANES)][...]
                for cc in range(0, c, _LANES)
            ]

            @plsc.parallel_loop(0, wb, unroll=8)
            def _(wr):
                for j, cc in enumerate(range(0, c, _LANES)):
                    cv = col_vmem.at[wr, pl.ds(cc, _LANES)][...]
                    xv = x_vmem.at[0, 0, wr, pl.ds(cc, _LANES)][...]
                    o_vmem.at[0, 0, wr, pl.ds(cc, _LANES)][...] = xv + rvs[j] + cv

        pltpu.emit_pipeline(
            body,
            grid=(b, h, w // wb),
            in_specs=[
                pl.BlockSpec((1, 1, wb, c), index_map=lambda bi, hi, wi: (bi, hi, wi, 0)),
                pl.BlockSpec((1, c), index_map=lambda bi, hi, wi: (hi, 0)),
                pl.BlockSpec((wb, c), index_map=lambda bi, hi, wi: (wi, 0)),
            ],
            out_specs=[
                pl.BlockSpec((1, 1, wb, c), index_map=lambda bi, hi, wi: (bi, hi, wi, 0)),
            ],
            core_axis_name=("core", "subcore"),
            dimension_semantics=(pltpu.PARALLEL, pltpu.PARALLEL, pltpu.PARALLEL),
        )(x_hbm, row_hbm, col_hbm, o_hbm)

    return sc_kernel(inputs, row_embeddings, col_embeddings)

# --- scband reference (transcript-rebuilt; emitter-appended) ---
"""Pipeline reference for scband-position-embedding2-d-20641612824800 (READ-ONLY COPY).

The authoritative reference and input builder live on the scoring server;
editing this copy changes nothing except your own understanding.
"""

import jax, jax.numpy as jnp
import numpy as np

HEIGHT = 512
WIDTH = 512
CHANNELS = 96
BATCH = 8

def setup_inputs(seed: int = 0) -> dict:
    key = jax.random.key(seed)
    k1, k2, k3 = jax.random.split(key, 3)
    inputs = jax.random.normal(k1, (BATCH, HEIGHT, WIDTH, CHANNELS), dtype=jnp.float32)
    # keras 'uniform' initializer: U(-0.05, 0.05)
    row_embeddings = jax.random.uniform(k2, (HEIGHT, CHANNELS), minval=-0.05, maxval=0.05, dtype=jnp.float32)
    col_embeddings = jax.random.uniform(k3, (WIDTH, CHANNELS), minval=-0.05, maxval=0.05, dtype=jnp.float32)
    return {"inputs": inputs, "row_embeddings": row_embeddings, "col_embeddings": col_embeddings}

def reference(inputs, row_embeddings, col_embeddings):
    h = inputs.shape[1]
    w = inputs.shape[2]
    row_emb = row_embeddings[:h, :].reshape(1, h, 1, -1)
    col_emb = col_embeddings[:w, :].reshape(1, 1, w, -1)
    pos_emb = row_emb + col_emb
    return inputs + pos_emb

if __name__ == "__main__":
    import jax
    _d = setup_inputs()
    print(jax.jit(kernel)(*tuple(_d.values())))

</pallas_src>

<mosaic_0001>
#map = affine_map<(d0, d1) -> (0, 0, 0, 0)>
#map1 = affine_map<(d0, d1) -> (0, 0)>
module attributes {stable_mosaic.version = 14 : i64} {
  func.func @sc_kernel(%arg0: i32, %arg1: i32, %arg2: memref<8x512x512x96xf32, #tpu.memory_space<hbm>>, %arg3: memref<512x96xf32, #tpu.memory_space<hbm>>, %arg4: memref<512x96xf32, #tpu.memory_space<hbm>>, %arg5: memref<8x512x512x96xf32, #tpu.memory_space<hbm>>) attributes {dimension_semantics = [#tpu.dimension_semantics<core_parallel>, #tpu.dimension_semantics<subcore_parallel>], iteration_bounds = array<i64: 2, 16>, scalar_prefetch = 0 : i64, scratch_operands = 0 : i64, tpu.core_type = #tpu.core_type<sc_vector_subcore>, window_params = [{transform_indices = #map}, {transform_indices = #map1}, {transform_indices = #map1}, {transform_indices = #map}]} {
    %mul3A = arith.constant 1 : i32
    %mul3A_0 = arith.muli %arg1, %mul3A : i32
    %add3A = arith.constant 0 : i32
    %add3A_1 = arith.addi %add3A, %mul3A_0 : i32
    %mul3A_2 = arith.constant 16 : i32
    %mul3A_3 = arith.muli %arg0, %mul3A_2 : i32
    %add3A_4 = arith.addi %add3A_1, %mul3A_3 : i32
    %mul3A_5 = arith.constant 16 : i32
    %mul3A_6 = arith.muli %add3A_4, %mul3A_5 : i32
    "tpu.region"() ({
      %run_scoped3A = memref.alloca() : memref<2x1x1x64x96xf32, #tpu.memory_space<vmem>>
      %run_scoped3A_7 = tpu.sem_alloc : memref<2x!tpu.dma_semaphore, #tpu.memory_space<semaphore_mem>>
      %run_scoped3A_8 = memref.alloca() : memref<2x1x96xf32, #tpu.memory_space<vmem>>
      %run_scoped3A_9 = tpu.sem_alloc : memref<2x!tpu.dma_semaphore, #tpu.memory_space<semaphore_mem>>
      %run_scoped3A_10 = memref.alloca() : memref<2x64x96xf32, #tpu.memory_space<vmem>>
      %run_scoped3A_11 = tpu.sem_alloc : memref<2x!tpu.dma_semaphore, #tpu.memory_space<semaphore_mem>>
      %run_scoped3A_12 = memref.alloca() : memref<2x1x1x64x96xf32, #tpu.memory_space<vmem>>
      %run_scoped3A_13 = tpu.sem_alloc : memref<2x!tpu.dma_semaphore, #tpu.memory_space<semaphore_mem>>
      %add3A_14 = arith.constant 0 : i32
      %add3A_15 = arith.addi %add3A_14, %mul3A_6 : i32
      %select_n3A = arith.constant true
      %select_n3A_16 = arith.constant 0 : i32
      %select_n3A_17 = arith.constant -1 : i32
      %select_n3A_18 = arith.select %select_n3A, %select_n3A_17, %select_n3A_16 : i32
      %eq3A = arith.constant -1 : i32
      %eq3A_19 = arith.cmpi eq, %select_n3A_18, %eq3A : i32
      %select_n3A_20 = arith.constant 7 : i32
      %select_n3A_21 = arith.select %eq3A_19, %select_n3A_20, %select_n3A_18 : i32
      %select_n3A_22 = arith.constant 0 : i32
      %select_n3A_23 = arith.constant -1 : i32
      %select_n3A_24 = arith.select %eq3A_19, %select_n3A_23, %select_n3A_22 : i32
      %eq3A_25 = arith.constant -1 : i32
      %eq3A_26 = arith.cmpi eq, %select_n3A_24, %eq3A_25 : i32
      %select_n3A_27 = arith.constant 15 : i32
      %select_n3A_28 = arith.select %eq3A_26, %select_n3A_27, %select_n3A_24 : i32
      %select_n3A_29 = arith.constant 0 : i32
      %select_n3A_30 = arith.constant -1 : i32
      %select_n3A_31 = arith.select %eq3A_26, %select_n3A_30, %select_n3A_29 : i32
      %eq3A_32 = arith.constant -1 : i32
      %eq3A_33 = arith.cmpi eq, %select_n3A_31, %eq3A_32 : i32
      %select_n3A_34 = arith.constant 7 : i32
      %select_n3A_35 = arith.select %eq3A_33, %select_n3A_34, %select_n3A_31 : i32
      %add3A_36 = arith.constant 0 : i32
      %add3A_37 = arith.addi %select_n3A_35, %add3A_36 : i32
      %add3A_38 = arith.addi %select_n3A_28, %mul3A_6 : i32
      %add3A_39 = arith.constant 0 : i32
      %add3A_40 = arith.addi %select_n3A_21, %add3A_39 : i32
      %select_n3A_41 = arith.constant true
      %select_n3A_42 = arith.constant 0 : i32
      %select_n3A_43 = arith.constant 1 : i32
      %select_n3A_44 = arith.select %select_n3A_41, %select_n3A_43, %select_n3A_42 : i32
      %eq3A_45 = arith.constant 8 : i32
      %eq3A_46 = arith.cmpi eq, %select_n3A_44, %eq3A_45 : i32
      %select_n3A_47 = arith.constant 0 : i32
      %select_n3A_48 = arith.select %eq3A_46, %select_n3A_47, %select_n3A_44 : i32
      %select_n3A_49 = arith.constant 0 : i32
      %select_n3A_50 = arith.constant 1 : i32
      %select_n3A_51 = arith.select %eq3A_46, %select_n3A_50, %select_n3A_49 : i32
      %eq3A_52 = arith.constant 16 : i32
      %eq3A_53 = arith.cmpi eq, %select_n3A_51, %eq3A_52 : i32
      %select_n3A_54 = arith.constant 0 : i32
      %select_n3A_55 = arith.select %eq3A_53, %select_n3A_54, %select_n3A_51 : i32
      %select_n3A_56 = arith.constant 0 : i32
      %select_n3A_57 = arith.constant 1 : i32
      %select_n3A_58 = arith.select %eq3A_53, %select_n3A_57, %select_n3A_56 : i32
      %eq3A_59 = arith.constant 8 : i32
      %eq3A_60 = arith.cmpi eq, %select_n3A_58, %eq3A_59 : i32
      %select_n3A_61 = arith.constant 0 : i32
      %select_n3A_62 = arith.select %eq3A_60, %select_n3A_61, %select_n3A_58 : i32
      %add3A_63 = arith.constant 0 : i32
      %add3A_64 = arith.addi %select_n3A_62, %add3A_63 : i32
      %add3A_65 = arith.addi %select_n3A_55, %mul3A_6 : i32
      %add3A_66 = arith.constant 0 : i32
      %add3A_67 = arith.addi %select_n3A_48, %add3A_66 : i32
      %add3A_68 = arith.constant 1 : i32
      %add3A_69 = arith.addi %select_n3A_48, %add3A_68 : i32
      %select_n3A_70 = arith.constant true
      %select_n3A_71 = arith.select %select_n3A_70, %add3A_69, %select_n3A_48 : i32
      %eq3A_72 = arith.constant 8 : i32
      %eq3A_73 = arith.cmpi eq, %select_n3A_71, %eq3A_72 : i32
      %select_n3A_74 = arith.constant 0 : i32
      %select_n3A_75 = arith.select %eq3A_73, %select_n3A_74, %select_n3A_71 : i32
      %add3A_76 = arith.constant 1 : i32
      %add3A_77 = arith.addi %select_n3A_55, %add3A_76 : i32
      %select_n3A_78 = arith.select %eq3A_73, %add3A_77, %select_n3A_55 : i32
      %eq3A_79 = arith.constant 16 : i32
      %eq3A_80 = arith.cmpi eq, %select_n3A_78, %eq3A_79 : i32
      %select_n3A_81 = arith.constant 0 : i32
      %select_n3A_82 = arith.select %eq3A_80, %select_n3A_81, %select_n3A_78 : i32
      %add3A_83 = arith.constant 1 : i32
      %add3A_84 = arith.addi %select_n3A_62, %add3A_83 : i32
      %select_n3A_85 = arith.select %eq3A_80, %add3A_84, %select_n3A_62 : i32
      %eq3A_86 = arith.constant 8 : i32
      %eq3A_87 = arith.cmpi eq, %select_n3A_85, %eq3A_86 : i32
      %select_n3A_88 = arith.constant 0 : i32
      %select_n3A_89 = arith.select %eq3A_87, %select_n3A_88, %select_n3A_85 : i32
      %add3A_90 = arith.constant 0 : i32
      %add3A_91 = arith.addi %select_n3A_89, %add3A_90 : i32
      %add3A_92 = arith.addi %select_n3A_82, %mul3A_6 : i32
      %add3A_93 = arith.constant 0 : i32
      %add3A_94 = arith.addi %select_n3A_75, %add3A_93 : i32
      "tpu.trace_start"() <{level = 10 : i32, message = "ep_initialize_0"}> : () -> ()
      %rem3A = arith.constant 0 : i32
      %rem3A_95 = arith.constant 2 : i32
      %rem3A_96 = arith.remui %rem3A, %rem3A_95 : i32
      %mul3A_97 = arith.constant 1 : i32
      %mul3A_98 = arith.muli %mul3A_97, %add3A_15 : i32
      %dma_start3A = arith.constant 0 : i32
      %dma_start3A_99 = arith.constant 0 : i32
      %dma_start3A_100 = arith.constant 0 : i32
      %dma_start3A_101 = arith.constant 0 : i32
      %dma_start3A_102 = tpu.memref_slice %run_scoped3A[%rem3A_96, %dma_start3A, %dma_start3A_99, %dma_start3A_100, %dma_start3A_101] : memref<2x1x1x64x96xf32, #tpu.memory_space<vmem>> -> memref<1x1x1x64x96xf32, #tpu.memory_space<vmem>>
      %dma_start3A_103 = tpu.memref_squeeze %dma_start3A_102 : memref<1x1x1x64x96xf32, #tpu.memory_space<vmem>> -> memref<1x1x64x96xf32, #tpu.memory_space<vmem>>
      %dma_start3A_104 = arith.constant 0 : i32
      %dma_start3A_105 = arith.constant 0 : i32
      %dma_start3A_106 = arith.constant 0 : i32
      %dma_start3A_107 = tpu.memref_slice %arg2[%dma_start3A_104, %mul3A_98, %dma_start3A_105, %dma_start3A_106] : memref<8x512x512x96xf32, #tpu.memory_space<hbm>> -> memref<1x1x64x96xf32, #tpu.memory_space<hbm>>
      %dma_start3A_108 = tpu.memref_slice %run_scoped3A_7[%rem3A_96] : memref<2x!tpu.dma_semaphore, #tpu.memory_space<semaphore_mem>> -> memref<1x!tpu.dma_semaphore, #tpu.memory_space<semaphore_mem>>
      %dma_start3A_109 = tpu.memref_squeeze %dma_start3A_108 : memref<1x!tpu.dma_semaphore, #tpu.memory_space<semaphore_mem>> -> memref<!tpu.dma_semaphore, #tpu.memory_space<semaphore_mem>>
      %dma_start3A_110 = arith.constant 0 : i32
      %dma_start3A_111 = arith.constant 0 : i32
      %dma_start3A_112 = arith.constant 0 : i32
      %dma_start3A_113 = arith.constant 0 : i32
      %dma_start3A_114 = tpu.memref_slice %run_scoped3A[%rem3A_96, %dma_start3A_110, %dma_start3A_111, %dma_start3A_112, %dma_start3A_113] : memref<2x1x1x64x96xf32, #tpu.memory_space<vmem>> -> memref<1x1x1x64x96xf32, #tpu.memory_space<vmem>>
      %dma_start3A_115 = tpu.memref_squeeze %dma_start3A_114 : memref<1x1x1x64x96xf32, #tpu.memory_space<vmem>> -> memref<1x1x64x96xf32, #tpu.memory_space<vmem>>
      %dma_start3A_116 = arith.constant 0 : i32
      %dma_start3A_117 = arith.constant 0 : i32
      %dma_start3A_118 = arith.constant 0 : i32
      %dma_start3A_119 = tpu.memref_slice %arg2[%dma_start3A_116, %mul3A_98, %dma_start3A_117, %dma_start3A_118] : memref<8x512x512x96xf32, #tpu.memory_space<hbm>> -> memref<1x1x64x96xf32, #tpu.memory_space<hbm>>
      tpu.enqueue_dma source(%dma_start3A_119 : memref<1x1x64x96xf32, #tpu.memory_space<hbm>>) target(%dma_start3A_115 : memref<1x1x64x96xf32, #tpu.memory_space<vmem>>) target_semaphore(%dma_start3A_109 : memref<!tpu.dma_semaphore, #tpu.memory_space<semaphore_mem>>)
      %add3A_120 = arith.constant 0 : i32
      %add3A_121 = arith.constant 1 : i32
      %add3A_122 = arith.addi %add3A_120, %add3A_121 : i32
      %select_n3A_123 = arith.constant true
      %select_n3A_124 = arith.constant 0 : i32
      %select_n3A_125 = arith.select %select_n3A_123, %add3A_122, %select_n3A_124 : i32
      %rem3A_126 = arith.constant 0 : i32
      %rem3A_127 = arith.constant 2 : i32
      %rem3A_128 = arith.remui %rem3A_126, %rem3A_127 : i32
      %mul3A_129 = arith.constant 1 : i32
      %mul3A_130 = arith.muli %mul3A_129, %add3A_15 : i32
      %dma_start3A_131 = arith.constant 0 : i32
      %dma_start3A_132 = arith.constant 0 : i32
      %dma_start3A_133 = tpu.memref_slice %run_scoped3A_8[%rem3A_128, %dma_start3A_131, %dma_start3A_132] : memref<2x1x96xf32, #tpu.memory_space<vmem>> -> memref<1x1x96xf32, #tpu.memory_space<vmem>>
      %dma_start3A_134 = tpu.memref_squeeze %dma_start3A_133 : memref<1x1x96xf32, #tpu.memory_space<vmem>> -> memref<1x96xf32, #tpu.memory_space<vmem>>
      %dma_start3A_135 = arith.constant 0 : i32
      %dma_start3A_136 = tpu.memref_slice %arg3[%mul3A_130, %dma_start3A_135] : memref<512x96xf32, #tpu.memory_space<hbm>> -> memref<1x96xf32, #tpu.memory_space<hbm>>
      %dma_start3A_137 = tpu.memref_slice %run_scoped3A_9[%rem3A_128] : memref<2x!tpu.dma_semaphore, #tpu.memory_space<semaphore_mem>> -> memref<1x!tpu.dma_semaphore, #tpu.memory_space<semaphore_mem>>
      %dma_start3A_138 = tpu.memref_squeeze %dma_start3A_137 : memref<1x!tpu.dma_semaphore, #tpu.memory_space<semaphore_mem>> -> memref<!tpu.dma_semaphore, #tpu.memory_space<semaphore_mem>>
      %dma_start3A_139 = arith.constant 0 : i32
      %dma_start3A_140 = arith.constant 0 : i32
      %dma_start3A_141 = tpu.memref_slice %run_scoped3A_8[%rem3A_128, %dma_start3A_139, %dma_start3A_140] : memref<2x1x96xf32, #tpu.memory_space<vmem>> -> memref<1x1x96xf32, #tpu.memory_space<vmem>>
      %dma_start3A_142 = tpu.memref_squeeze %dma_start3A_141 : memref<1x1x96xf32, #tpu.memory_space<vmem>> -> memref<1x96xf32, #tpu.memory_space<vmem>>
      %dma_start3A_143 = arith.constant 0 : i32
      %dma_start3A_144 = tpu.memref_slice %arg3[%mul3A_130, %dma_start3A_143] : memref<512x96xf32, #tpu.memory_space<hbm>> -> memref<1x96xf32, #tpu.memory_space<hbm>>
      tpu.enqueue_dma source(%dma_start3A_144 : memref<1x96xf32, #tpu.memory_space<hbm>>) target(%dma_start3A_142 : memref<1x96xf32, #tpu.memory_space<vmem>>) target_semaphore(%dma_start3A_138 : memref<!tpu.dma_semaphore, #tpu.memory_space<semaphore_mem>>)
      %add3A_145 = arith.constant 0 : i32
      %add3A_146 = arith.constant 1 : i32
      %add3A_147 = arith.addi %add3A_145, %add3A_146 : i32
      %select_n3A_148 = arith.constant true
      %select_n3A_149 = arith.constant 0 : i32
      %select_n3A_150 = arith.select %select_n3A_148, %add3A_147, %select_n3A_149 : i32
      %rem3A_151 = arith.constant 0 : i32
      %rem3A_152 = arith.constant 2 : i32
      %rem3A_153 = arith.remui %rem3A_151, %rem3A_152 : i32
      %dma_start3A_154 = arith.constant 0 : i32
      %dma_start3A_155 = arith.constant 0 : i32
      %dma_start3A_156 = tpu.memref_slice %run_scoped3A_10[%rem3A_153, %dma_start3A_154, %dma_start3A_155] : memref<2x64x96xf32, #tpu.memory_space<vmem>> -> memref<1x64x96xf32, #tpu.memory_space<vmem>>
      %dma_start3A_157 = tpu.memref_squeeze %dma_start3A_156 : memref<1x64x96xf32, #tpu.memory_space<vmem>> -> memref<64x96xf32, #tpu.memory_space<vmem>>
      %dma_start3A_158 = arith.constant 0 : i32
      %dma_start3A_159 = arith.constant 0 : i32
      %dma_start3A_160 = tpu.memref_slice %arg4[%dma_start3A_158, %dma_start3A_159] : memref<512x96xf32, #tpu.memory_space<hbm>> -> memref<64x96xf32, #tpu.memory_space<hbm>>
      %dma_start3A_161 = tpu.memref_slice %run_scoped3A_11[%rem3A_153] : memref<2x!tpu.dma_semaphore, #tpu.memory_space<semaphore_mem>> -> memref<1x!tpu.dma_semaphore, #tpu.memory_space<semaphore_mem>>
      %dma_start3A_162 = tpu.memref_squeeze %dma_start3A_161 : memref<1x!tpu.dma_semaphore, #tpu.memory_space<semaphore_mem>> -> memref<!tpu.dma_semaphore, #tpu.memory_space<semaphore_mem>>
      %dma_start3A_163 = arith.constant 0 : i32
      %dma_start3A_164 = arith.constant 0 : i32
      %dma_start3A_165 = tpu.memref_slice %run_scoped3A_10[%rem3A_153, %dma_start3A_163, %dma_start3A_164] : memref<2x64x96xf32, #tpu.memory_space<vmem>> -> memref<1x64x96xf32, #tpu.memory_space<vmem>>
      %dma_start3A_166 = tpu.memref_squeeze %dma_start3A_165 : memref<1x64x96xf32, #tpu.memory_space<vmem>> -> memref<64x96xf32, #tpu.memory_space<vmem>>
      %dma_start3A_167 = arith.constant 0 : i32
      %dma_start3A_168 = arith.constant 0 : i32
      %dma_start3A_169 = tpu.memref_slice %arg4[%dma_start3A_167, %dma_start3A_168] : memref<512x96xf32, #tpu.memory_space<hbm>> -> memref<64x96xf32, #tpu.memory_space<hbm>>
      tpu.enqueue_dma source(%dma_start3A_169 : memref<64x96xf32, #tpu.memory_space<hbm>>) target(%dma_start3A_166 : memref<64x96xf32, #tpu.memory_space<vmem>>) target_semaphore(%dma_start3A_162 : memref<!tpu.dma_semaphore, #tpu.memory_space<semaphore_mem>>)
      %add3A_170 = arith.constant 0 : i32
      %add3A_171 = arith.constant 1 : i32
      %add3A_172 = arith.addi %add3A_170, %add3A_171 : i32
      %select_n3A_173 = arith.constant true
      %select_n3A_174 = arith.constant 0 : i32
      %select_n3A_175 = arith.select %select_n3A_173, %add3A_172, %select_n3A_174 : i32
      "tpu.trace_stop"() : () -> ()
      %scan3A = arith.constant 0 : i32
      %scan3A_176 = arith.constant 0 : i32
      %scan3A_177 = arith.constant 0 : i32
      %scan3A_178 = arith.constant 0 : i32
      %scan3A_179 = arith.constant 0 : i32
      %scan3A_180 = arith.constant 0 : i32
      %scan3A_181 = arith.constant 0 : i32
      %scan3A_182 = arith.constant 0 : i32
      %scan3A_183 = arith.constant 0 : i32
      %scan3A_184 = arith.constant 1024 : i32
      %scan3A_185 = arith.addi %scan3A_183, %scan3A_184 : i32
      %scan3A_186 = arith.constant 1 : i32
      %scan3A_187:11 = scf.for %scan3A_321 = %scan3A_183 to %scan3A_185 step %scan3A_186 iter_args(%scan3A_322 = %select_n3A_125, %scan3A_323 = %scan3A, %scan3A_324 = %select_n3A_150, %scan3A_325 = %scan3A_176, %scan3A_326 = %select_n3A_175, %scan3A_327 = %scan3A_177, %scan3A_328 = %scan3A_178, %scan3A_329 = %scan3A_179, %scan3A_330 = %scan3A_180, %scan3A_331 = %scan3A_181, %scan3A_332 = %scan3A_182) -> (i32, i32, i32, i32, i32, i32, i32, i32, i32, i32, i32)  : i32 {
        %eq3A_333 = arith.constant 0 : i32
        %eq3A_334 = arith.cmpi eq, %scan3A_321, %eq3A_333 : i32
        %eq3A_335 = arith.constant 1023 : i32
        %eq3A_336 = arith.cmpi eq, %scan3A_321, %eq3A_335 : i32
        %add3A_337 = arith.constant 0 : i32
        %add3A_338 = arith.addi %scan3A_330, %add3A_337 : i32
        %add3A_339 = arith.addi %scan3A_331, %mul3A_6 : i32
        %add3A_340 = arith.constant 0 : i32
        %add3A_341 = arith.addi %scan3A_332, %add3A_340 : i32
        %sub3A_342 = arith.constant 1 : i32
        %sub3A_343 = arith.subi %scan3A_332, %sub3A_342 : i32
        %select_n3A_344 = arith.constant true
        %select_n3A_345 = arith.select %select_n3A_344, %sub3A_343, %scan3A_332 : i32
        %eq3A_346 = arith.constant -1 : i32
        %eq3A_347 = arith.cmpi eq, %select_n3A_345, %eq3A_346 : i32
        %select_n3A_348 = arith.constant 7 : i32
        %select_n3A_349 = arith.select %eq3A_347, %select_n3A_348, %select_n3A_345 : i32
        %sub3A_350 = arith.constant 1 : i32
        %sub3A_351 = arith.subi %scan3A_331, %sub3A_350 : i32
        %select_n3A_352 = arith.select %eq3A_347, %sub3A_351, %scan3A_331 : i32
        %eq3A_353 = arith.constant -1 : i32
        %eq3A_354 = arith.cmpi eq, %select_n3A_352, %eq3A_353 : i32
        %select_n3A_355 = arith.constant 15 : i32
        %select_n3A_356 = arith.select %eq3A_354, %select_n3A_355, %select_n3A_352 : i32
        %sub3A_357 = arith.constant 1 : i32
        %sub3A_358 = arith.subi %scan3A_330, %sub3A_357 : i32
        %select_n3A_359 = arith.select %eq3A_354, %sub3A_358, %scan3A_330 : i32
        %eq3A_360 = arith.constant -1 : i32
        %eq3A_361 = arith.cmpi eq, %select_n3A_359, %eq3A_360 : i32
        %select_n3A_362 = arith.constant 7 : i32
        %select_n3A_363 = arith.select %eq3A_361, %select_n3A_362, %select_n3A_359 : i32
        %add3A_364 = arith.constant 0 : i32
        %add3A_365 = arith.addi %select_n3A_363, %add3A_364 : i32
        %add3A_366 = arith.addi %select_n3A_356, %mul3A_6 : i32
        %add3A_367 = arith.constant 0 : i32
        %add3A_368 = arith.addi %select_n3A_349, %add3A_367 : i32
        %add3A_369 = arith.constant 1 : i32
        %add3A_370 = arith.addi %scan3A_332, %add3A_369 : i32
        %select_n3A_371 = arith.constant true
        %select_n3A_372 = arith.select %select_n3A_371, %add3A_370, %scan3A_332 : i32
        %eq3A_373 = arith.constant 8 : i32
        %eq3A_374 = arith.cmpi eq, %select_n3A_372, %eq3A_373 : i32
        %select_n3A_375 = arith.constant 0 : i32
        %select_n3A_376 = arith.select %eq3A_374, %select_n3A_375, %select_n3A_372 : i32
        %add3A_377 = arith.constant 1 : i32
        %add3A_378 = arith.addi %scan3A_331, %add3A_377 : i32
        %select_n3A_379 = arith.select %eq3A_374, %add3A_378, %scan3A_331 : i32
        %eq3A_380 = arith.constant 16 : i32
        %eq3A_381 = arith.cmpi eq, %select_n3A_379, %eq3A_380 : i32
        %select_n3A_382 = arith.constant 0 : i32
        %select_n3A_383 = arith.select %eq3A_381, %select_n3A_382, %select_n3A_379 : i32
        %add3A_384 = arith.constant 1 : i32
        %add3A_385 = arith.addi %scan3A_330, %add3A_384 : i32
        %select_n3A_386 = arith.select %eq3A_381, %add3A_385, %scan3A_330 : i32
        %eq3A_387 = arith.constant 8 : i32
        %eq3A_388 = arith.cmpi eq, %select_n3A_386, %eq3A_387 : i32
        %select_n3A_389 = arith.constant 0 : i32
        %select_n3A_390 = arith.select %eq3A_388, %select_n3A_389, %select_n3A_386 : i32
        %add3A_391 = arith.constant 0 : i32
        %add3A_392 = arith.addi %select_n3A_390, %add3A_391 : i32
        %add3A_393 = arith.addi %select_n3A_383, %mul3A_6 : i32
        %add3A_394 = arith.constant 0 : i32
        %add3A_395 = arith.addi %select_n3A_376, %add3A_394 : i32
        %add3A_396 = arith.constant 1 : i32
        %add3A_397 = arith.addi %select_n3A_376, %add3A_396 : i32
        %select_n3A_398 = arith.constant true
        %select_n3A_399 = arith.select %select_n3A_398, %add3A_397, %select_n3A_376 : i32
        %eq3A_400 = arith.constant 8 : i32
        %eq3A_401 = arith.cmpi eq, %select_n3A_399, %eq3A_400 : i32
        %select_n3A_402 = arith.constant 0 : i32
        %select_n3A_403 = arith.select %eq3A_401, %select_n3A_402, %select_n3A_399 : i32
        %add3A_404 = arith.constant 1 : i32
        %add3A_405 = arith.addi %select_n3A_383, %add3A_404 : i32
        %select_n3A_406 = arith.select %eq3A_401, %add3A_405, %select_n3A_383 : i32
        %eq3A_407 = arith.constant 16 : i32
        %eq3A_408 = arith.cmpi eq, %select_n3A_406, %eq3A_407 : i32
        %select_n3A_409 = arith.constant 0 : i32
        %select_n3A_410 = arith.select %eq3A_408, %select_n3A_409, %select_n3A_406 : i32
        %add3A_411 = arith.constant 1 : i32
        %add3A_412 = arith.addi %select_n3A_390, %add3A_411 : i32
        %select_n3A_413 = arith.select %eq3A_408, %add3A_412, %select_n3A_390 : i32
        %eq3A_414 = arith.constant 8 : i32
        %eq3A_415 = arith.cmpi eq, %select_n3A_413, %eq3A_414 : i32
        %select_n3A_416 = arith.constant 0 : i32
        %select_n3A_417 = arith.select %eq3A_415, %select_n3A_416, %select_n3A_413 : i32
        %add3A_418 = arith.constant 0 : i32
        %add3A_419 = arith.addi %select_n3A_417, %add3A_418 : i32
        %add3A_420 = arith.addi %select_n3A_410, %mul3A_6 : i32
        %add3A_421 = arith.constant 0 : i32
        %add3A_422 = arith.addi %select_n3A_403, %add3A_421 : i32
        %ne3A = arith.cmpi ne, %add3A_338, %add3A_392 : i32
        %ne3A_423 = arith.cmpi ne, %add3A_339, %add3A_393 : i32
        %ne3A_424 = arith.cmpi ne, %add3A_341, %add3A_395 : i32
        %or3A = arith.constant false
        %or3A_425 = arith.ori %or3A, %ne3A : i1
        %or3A_426 = arith.ori %or3A_425, %ne3A_423 : i1
        %or3A_427 = arith.ori %or3A_426, %ne3A_424 : i1
        %or3A_428 = arith.constant false
        %or3A_429 = arith.ori %or3A_427, %or3A_428 : i1
        %ge3A = arith.constant 1023 : i32
        %ge3A_430 = arith.cmpi sge, %scan3A_321, %ge3A : i32
        %not3A = arith.constant true
        %not3A_431 = arith.xori %ge3A_430, %not3A : i1
        %and3A = arith.andi %or3A_429, %not3A_431 : i1
        %convert_element_type3A = arith.extui %and3A : i1 to i32
        %cond3A = arith.constant 0 : i32
        %cond3A_432 = arith.cmpi ne, %convert_element_type3A, %cond3A : i32
        scf.if %cond3A_432 {
          "tpu.trace_start"() <{level = 10 : i32, message = "ep_copy_in"}> : () -> ()
          %rem3A_766 = arith.constant 2 : i32
          %rem3A_767 = arith.remui %scan3A_322, %rem3A_766 : i32
          %mul3A_768 = arith.constant 1 : i32
          %mul3A_769 = arith.muli %mul3A_768, %add3A_392 : i32
          %mul3A_770 = arith.constant 1 : i32
          %mul3A_771 = arith.muli %mul3A_770, %add3A_393 : i32
          %mul3A_772 = arith.constant 64 : i32
          %mul3A_773 = arith.muli %mul3A_772, %add3A_395 : i32
          %dma_start3A_774 = arith.constant 0 : i32
          %dma_start3A_775 = arith.constant 0 : i32
          %dma_start3A_776 = arith.constant 0 : i32
          %dma_start3A_777 = arith.constant 0 : i32
          %dma_start3A_778 = tpu.memref_slice %run_scoped3A[%rem3A_767, %dma_start3A_774, %dma_start3A_775, %dma_start3A_776, %dma_start3A_777] : memref<2x1x1x64x96xf32, #tpu.memory_space<vmem>> -> memref<1x1x1x64x96xf32, #tpu.memory_space<vmem>>
          %dma_start3A_779 = tpu.memref_squeeze %dma_start3A_778 : memref<1x1x1x64x96xf32, #tpu.memory_space<vmem>> -> memref<1x1x64x96xf32, #tpu.memory_space<vmem>>
          %dma_start3A_780 = arith.constant 0 : i32
          %dma_start3A_781 = tpu.memref_slice %arg2[%mul3A_769, %mul3A_771, %mul3A_773, %dma_start3A_780] : memref<8x512x512x96xf32, #tpu.memory_space<hbm>> -> memref<1x1x64x96xf32, #tpu.memory_space<hbm>>
          %dma_start3A_782 = tpu.memref_slice %run_scoped3A_7[%rem3A_767] : memref<2x!tpu.dma_semaphore, #tpu.memory_space<semaphore_mem>> -> memref<1x!tpu.dma_semaphore, #tpu.memory_space<semaphore_mem>>
          %dma_start3A_783 = tpu.memref_squeeze %dma_start3A_782 : memref<1x!tpu.dma_semaphore, #tpu.memory_space<semaphore_mem>> -> memref<!tpu.dma_semaphore, #tpu.memory_space<semaphore_mem>>
          %dma_start3A_784 = arith.constant 0 : i32
          %dma_start3A_785 = arith.constant 0 : i32
          %dma_start3A_786 = arith.constant 0 : i32
          %dma_start3A_787 = arith.constant 0 : i32
          %dma_start3A_788 = tpu.memref_slice %run_scoped3A[%rem3A_767, %dma_start3A_784, %dma_start3A_785, %dma_start3A_786, %dma_start3A_787] : memref<2x1x1x64x96xf32, #tpu.memory_space<vmem>> -> memref<1x1x1x64x96xf32, #tpu.memory_space<vmem>>
          %dma_start3A_789 = tpu.memref_squeeze %dma_start3A_788 : memref<1x1x1x64x96xf32, #tpu.memory_space<vmem>> -> memref<1x1x64x96xf32, #tpu.memory_space<vmem>>
          %dma_start3A_790 = arith.constant 0 : i32
          %dma_start3A_791 = tpu.memref_slice %arg2[%mul3A_769, %mul3A_771, %mul3A_773, %dma_start3A_790] : memref<8x512x512x96xf32, #tpu.memory_space<hbm>> -> memref<1x1x64x96xf32, #tpu.memory_space<hbm>>
          tpu.enqueue_dma source(%dma_start3A_791 : memref<1x1x64x96xf32, #tpu.memory_space<hbm>>) target(%dma_start3A_789 : memref<1x1x64x96xf32, #tpu.memory_space<vmem>>) target_semaphore(%dma_start3A_783 : memref<!tpu.dma_semaphore, #tpu.memory_space<semaphore_mem>>)
          "tpu.trace_stop"() : () -> ()
        } else {
        }
        %and3A_433 = arith.constant true
        %and3A_434 = arith.andi %and3A, %and3A_433 : i1
        %add3A_435 = arith.constant 1 : i32
        %add3A_436 = arith.addi %scan3A_322, %add3A_435 : i32
        %select_n3A_437 = arith.select %and3A_434, %add3A_436, %scan3A_322 : i32
        %ne3A_438 = arith.cmpi ne, %add3A_339, %add3A_393 : i32
        %or3A_439 = arith.constant false
        %or3A_440 = arith.ori %or3A_439, %ne3A_438 : i1
        %or3A_441 = arith.constant false
        %or3A_442 = arith.ori %or3A_440, %or3A_441 : i1
        %ge3A_443 = arith.constant 1023 : i32
        %ge3A_444 = arith.cmpi sge, %scan3A_321, %ge3A_443 : i32
        %not3A_445 = arith.constant true
        %not3A_446 = arith.xori %ge3A_444, %not3A_445 : i1
        %and3A_447 = arith.andi %or3A_442, %not3A_446 : i1
        %convert_element_type3A_448 = arith.extui %and3A_447 : i1 to i32
        %cond3A_449 = arith.constant 0 : i32
        %cond3A_450 = arith.cmpi ne, %convert_element_type3A_448, %cond3A_449 : i32
        scf.if %cond3A_450 {
          "tpu.trace_start"() <{level = 10 : i32, message = "ep_copy_in"}> : () -> ()
          %rem3A_766 = arith.constant 2 : i32
          %rem3A_767 = arith.remui %scan3A_324, %rem3A_766 : i32
          %mul3A_768 = arith.constant 1 : i32
          %mul3A_769 = arith.muli %mul3A_768, %add3A_393 : i32
          %dma_start3A_770 = arith.constant 0 : i32
          %dma_start3A_771 = arith.constant 0 : i32
          %dma_start3A_772 = tpu.memref_slice %run_scoped3A_8[%rem3A_767, %dma_start3A_770, %dma_start3A_771] : memref<2x1x96xf32, #tpu.memory_space<vmem>> -> memref<1x1x96xf32, #tpu.memory_space<vmem>>
          %dma_start3A_773 = tpu.memref_squeeze %dma_start3A_772 : memref<1x1x96xf32, #tpu.memory_space<vmem>> -> memref<1x96xf32, #tpu.memory_space<vmem>>
          %dma_start3A_774 = arith.constant 0 : i32
          %dma_start3A_775 = tpu.memref_slice %arg3[%mul3A_769, %dma_start3A_774] : memref<512x96xf32, #tpu.memory_space<hbm>> -> memref<1x96xf32, #tpu.memory_space<hbm>>
          %dma_start3A_776 = tpu.memref_slice %run_scoped3A_9[%rem3A_767] : memref<2x!tpu.dma_semaphore, #tpu.memory_space<semaphore_mem>> -> memref<1x!tpu.dma_semaphore, #tpu.memory_space<semaphore_mem>>
          %dma_start3A_777 = tpu.memref_squeeze %dma_start3A_776 : memref<1x!tpu.dma_semaphore, #tpu.memory_space<semaphore_mem>> -> memref<!tpu.dma_semaphore, #tpu.memory_space<semaphore_mem>>
          %dma_start3A_778 = arith.constant 0 : i32
          %dma_start3A_779 = arith.constant 0 : i32
          %dma_start3A_780 = tpu.memref_slice %run_scoped3A_8[%rem3A_767, %dma_start3A_778, %dma_start3A_779] : memref<2x1x96xf32, #tpu.memory_space<vmem>> -> memref<1x1x96xf32, #tpu.memory_space<vmem>>
          %dma_start3A_781 = tpu.memref_squeeze %dma_start3A_780 : memref<1x1x96xf32, #tpu.memory_space<vmem>> -> memref<1x96xf32, #tpu.memory_space<vmem>>
          %dma_start3A_782 = arith.constant 0 : i32
          %dma_start3A_783 = tpu.memref_slice %arg3[%mul3A_769, %dma_start3A_782] : memref<512x96xf32, #tpu.memory_space<hbm>> -> memref<1x96xf32, #tpu.memory_space<hbm>>
          tpu.enqueue_dma source(%dma_start3A_783 : memref<1x96xf32, #tpu.memory_space<hbm>>) target(%dma_start3A_781 : memref<1x96xf32, #tpu.memory_space<vmem>>) target_semaphore(%dma_start3A_777 : memref<!tpu.dma_semaphore, #tpu.memory_space<semaphore_mem>>)
          "tpu.trace_stop"() : () -> ()
        } else {
        }
        %and3A_451 = arith.constant true
        %and3A_452 = arith.andi %and3A_447, %and3A_451 : i1
        %add3A_453 = arith.constant 1 : i32
        %add3A_454 = arith.addi %scan3A_324, %add3A_453 : i32
        %select_n3A_455 = arith.select %and3A_452, %add3A_454, %scan3A_324 : i32
        %ne3A_456 = arith.cmpi ne, %add3A_341, %add3A_395 : i32
        %or3A_457 = arith.constant false
        %or3A_458 = arith.ori %or3A_457, %ne3A_456 : i1
        %or3A_459 = arith.constant false
        %or3A_460 = arith.ori %or3A_458, %or3A_459 : i1
        %ge3A_461 = arith.constant 1023 : i32
        %ge3A_462 = arith.cmpi sge, %scan3A_321, %ge3A_461 : i32
        %not3A_463 = arith.constant true
        %not3A_464 = arith.xori %ge3A_462, %not3A_463 : i1
        %and3A_465 = arith.andi %or3A_460, %not3A_464 : i1
        %convert_element_type3A_466 = arith.extui %and3A_465 : i1 to i32
        %cond3A_467 = arith.constant 0 : i32
        %cond3A_468 = arith.cmpi ne, %convert_element_type3A_466, %cond3A_467 : i32
        scf.if %cond3A_468 {
          "tpu.trace_start"() <{level = 10 : i32, message = "ep_copy_in"}> : () -> ()
          %rem3A_766 = arith.constant 2 : i32
          %rem3A_767 = arith.remui %scan3A_326, %rem3A_766 : i32
          %mul3A_768 = arith.constant 64 : i32
          %mul3A_769 = arith.muli %mul3A_768, %add3A_395 : i32
          %dma_start3A_770 = arith.constant 0 : i32
          %dma_start3A_771 = arith.constant 0 : i32
          %dma_start3A_772 = tpu.memref_slice %run_scoped3A_10[%rem3A_767, %dma_start3A_770, %dma_start3A_771] : memref<2x64x96xf32, #tpu.memory_space<vmem>> -> memref<1x64x96xf32, #tpu.memory_space<vmem>>
          %dma_start3A_773 = tpu.memref_squeeze %dma_start3A_772 : memref<1x64x96xf32, #tpu.memory_space<vmem>> -> memref<64x96xf32, #tpu.memory_space<vmem>>
          %dma_start3A_774 = arith.constant 0 : i32
          %dma_start3A_775 = tpu.memref_slice %arg4[%mul3A_769, %dma_start3A_774] : memref<512x96xf32, #tpu.memory_space<hbm>> -> memref<64x96xf32, #tpu.memory_space<hbm>>
          %dma_start3A_776 = tpu.memref_slice %run_scoped3A_11[%rem3A_767] : memref<2x!tpu.dma_semaphore, #tpu.memory_space<semaphore_mem>> -> memref<1x!tpu.dma_semaphore, #tpu.memory_space<semaphore_mem>>
          %dma_start3A_777 = tpu.memref_squeeze %dma_start3A_776 : memref<1x!tpu.dma_semaphore, #tpu.memory_space<semaphore_mem>> -> memref<!tpu.dma_semaphore, #tpu.memory_space<semaphore_mem>>
          %dma_start3A_778 = arith.constant 0 : i32
          %dma_start3A_779 = arith.constant 0 : i32
          %dma_start3A_780 = tpu.memref_slice %run_scoped3A_10[%rem3A_767, %dma_start3A_778, %dma_start3A_779] : memref<2x64x96xf32, #tpu.memory_space<vmem>> -> memref<1x64x96xf32, #tpu.memory_space<vmem>>
          %dma_start3A_781 = tpu.memref_squeeze %dma_start3A_780 : memref<1x64x96xf32, #tpu.memory_space<vmem>> -> memref<64x96xf32, #tpu.memory_space<vmem>>
          %dma_start3A_782 = arith.constant 0 : i32
          %dma_start3A_783 = tpu.memref_slice %arg4[%mul3A_769, %dma_start3A_782] : memref<512x96xf32, #tpu.memory_space<hbm>> -> memref<64x96xf32, #tpu.memory_space<hbm>>
          tpu.enqueue_dma source(%dma_start3A_783 : memref<64x96xf32, #tpu.memory_space<hbm>>) target(%dma_start3A_781 : memref<64x96xf32, #tpu.memory_space<vmem>>) target_semaphore(%dma_start3A_777 : memref<!tpu.dma_semaphore, #tpu.memory_space<semaphore_mem>>)
          "tpu.trace_stop"() : () -> ()
        } else {
        }
        %and3A_469 = arith.constant true
        %and3A_470 = arith.andi %and3A_465, %and3A_469 : i1
        %add3A_471 = arith.constant 1 : i32
        %add3A_472 = arith.addi %scan3A_326, %add3A_471 : i32
        %select_n3A_473 = arith.select %and3A_470, %add3A_472, %scan3A_326 : i32
        %ne3A_474 = arith.cmpi ne, %add3A_338, %add3A_392 : i32
        %ne3A_475 = arith.cmpi ne, %add3A_339, %add3A_393 : i32
        %ne3A_476 = arith.cmpi ne, %add3A_341, %add3A_395 : i32
        %or3A_477 = arith.constant false
        %or3A_478 = arith.ori %or3A_477, %ne3A_474 : i1
        %or3A_479 = arith.ori %or3A_478, %ne3A_475 : i1
        %or3A_480 = arith.ori %or3A_479, %ne3A_476 : i1
        %or3A_481 = arith.constant false
        %or3A_482 = arith.ori %or3A_480, %or3A_481 : i1
        %ge3A_483 = arith.constant 1023 : i32
        %ge3A_484 = arith.cmpi sge, %scan3A_321, %ge3A_483 : i32
        %not3A_485 = arith.constant true
        %not3A_486 = arith.xori %ge3A_484, %not3A_485 : i1
        %and3A_487 = arith.andi %or3A_482, %not3A_486 : i1
        %ne3A_488 = arith.cmpi ne, %add3A_338, %add3A_365 : i32
        %ne3A_489 = arith.cmpi ne, %add3A_339, %add3A_366 : i32
        %ne3A_490 = arith.cmpi ne, %add3A_341, %add3A_368 : i32
        %or3A_491 = arith.constant false
        %or3A_492 = arith.ori %or3A_491, %ne3A_488 : i1
        %or3A_493 = arith.ori %or3A_492, %ne3A_489 : i1
        %or3A_494 = arith.ori %or3A_493, %ne3A_490 : i1
        %or3A_495 = arith.constant false
        %or3A_496 = arith.ori %or3A_494, %or3A_495 : i1
        %or3A_497 = arith.ori %or3A_496, %eq3A_334 : i1
        %convert_element_type3A_498 = arith.extui %or3A_497 : i1 to i32
        %cond3A_499 = arith.constant 0 : i32
        %cond3A_500 = arith.cmpi ne, %convert_element_type3A_498, %cond3A_499 : i32
        scf.if %cond3A_500 {
          "tpu.trace_start"() <{level = 10 : i32, message = "ep_wait_in"}> : () -> ()
          %mul3A_766 = arith.constant 1 : i32
          %mul3A_767 = arith.muli %mul3A_766, %add3A_338 : i32
          %mul3A_768 = arith.constant 1 : i32
          %mul3A_769 = arith.muli %mul3A_768, %add3A_339 : i32
          %mul3A_770 = arith.constant 64 : i32
          %mul3A_771 = arith.muli %mul3A_770, %add3A_341 : i32
          %rem3A_772 = arith.constant 2 : i32
          %rem3A_773 = arith.remui %scan3A_323, %rem3A_772 : i32
          %dma_wait3A_774 = arith.constant 0 : i32
          %dma_wait3A_775 = arith.constant 0 : i32
          %dma_wait3A_776 = arith.constant 0 : i32
          %dma_wait3A_777 = arith.constant 0 : i32
          %dma_wait3A_778 = tpu.memref_slice %run_scoped3A[%rem3A_773, %dma_wait3A_774, %dma_wait3A_775, %dma_wait3A_776, %dma_wait3A_777] : memref<2x1x1x64x96xf32, #tpu.memory_space<vmem>> -> memref<1x1x1x64x96xf32, #tpu.memory_space<vmem>>
          %dma_wait3A_779 = tpu.memref_squeeze %dma_wait3A_778 : memref<1x1x1x64x96xf32, #tpu.memory_space<vmem>> -> memref<1x1x64x96xf32, #tpu.memory_space<vmem>>
          %dma_wait3A_780 = arith.constant 0 : i32
          %dma_wait3A_781 = tpu.memref_slice %arg2[%mul3A_767, %mul3A_769, %mul3A_771, %dma_wait3A_780] : memref<8x512x512x96xf32, #tpu.memory_space<hbm>> -> memref<1x1x64x96xf32, #tpu.memory_space<hbm>>
          %dma_wait3A_782 = tpu.memref_slice %run_scoped3A_7[%rem3A_773] : memref<2x!tpu.dma_semaphore, #tpu.memory_space<semaphore_mem>> -> memref<1x!tpu.dma_semaphore, #tpu.memory_space<semaphore_mem>>
          %dma_wait3A_783 = tpu.memref_squeeze %dma_wait3A_782 : memref<1x!tpu.dma_semaphore, #tpu.memory_space<semaphore_mem>> -> memref<!tpu.dma_semaphore, #tpu.memory_space<semaphore_mem>>
          %dma_wait3A_784 = arith.constant 0 : i32
          %dma_wait3A_785 = arith.constant 0 : i32
          %dma_wait3A_786 = arith.constant 0 : i32
          %dma_wait3A_787 = arith.constant 0 : i32
          %dma_wait3A_788 = tpu.memref_slice %run_scoped3A[%rem3A_773, %dma_wait3A_784, %dma_wait3A_785, %dma_wait3A_786, %dma_wait3A_787] : memref<2x1x1x64x96xf32, #tpu.memory_space<vmem>> -> memref<1x1x1x64x96xf32, #tpu.memory_space<vmem>>
          %dma_wait3A_789 = tpu.memref_squeeze %dma_wait3A_788 : memref<1x1x1x64x96xf32, #tpu.memory_space<vmem>> -> memref<1x1x64x96xf32, #tpu.memory_space<vmem>>
          %dma_wait3A_790 = arith.constant 0 : i32
          %dma_wait3A_791 = tpu.memref_slice %arg2[%mul3A_767, %mul3A_769, %mul3A_771, %dma_wait3A_790] : memref<8x512x512x96xf32, #tpu.memory_space<hbm>> -> memref<1x1x64x96xf32, #tpu.memory_space<hbm>>
          tpu.wait_dma2 semaphore(%dma_wait3A_783 : memref<!tpu.dma_semaphore, #tpu.memory_space<semaphore_mem>>) src(%dma_wait3A_791 : memref<1x1x64x96xf32, #tpu.memory_space<hbm>>) dst(%dma_wait3A_789 : memref<1x1x64x96xf32, #tpu.memory_space<vmem>>)
          "tpu.trace_stop"() : () -> ()
        } else {
        }
        %ne3A_501 = arith.cmpi ne, %add3A_339, %add3A_366 : i32
        %or3A_502 = arith.constant false
        %or3A_503 = arith.ori %or3A_502, %ne3A_501 : i1
        %or3A_504 = arith.constant false
        %or3A_505 = arith.ori %or3A_503, %or3A_504 : i1
        %or3A_506 = arith.ori %or3A_505, %eq3A_334 : i1
        %convert_element_type3A_507 = arith.extui %or3A_506 : i1 to i32
        %cond3A_508 = arith.constant 0 : i32
        %cond3A_509 = arith.cmpi ne, %convert_element_type3A_507, %cond3A_508 : i32
        scf.if %cond3A_509 {
          "tpu.trace_start"() <{level = 10 : i32, message = "ep_wait_in"}> : () -> ()
          %mul3A_766 = arith.constant 1 : i32
          %mul3A_767 = arith.muli %mul3A_766, %add3A_339 : i32
          %rem3A_768 = arith.constant 2 : i32
          %rem3A_769 = arith.remui %scan3A_325, %rem3A_768 : i32
          %dma_wait3A_770 = arith.constant 0 : i32
          %dma_wait3A_771 = arith.constant 0 : i32
          %dma_wait3A_772 = tpu.memref_slice %run_scoped3A_8[%rem3A_769, %dma_wait3A_770, %dma_wait3A_771] : memref<2x1x96xf32, #tpu.memory_space<vmem>> -> memref<1x1x96xf32, #tpu.memory_space<vmem>>
          %dma_wait3A_773 = tpu.memref_squeeze %dma_wait3A_772 : memref<1x1x96xf32, #tpu.memory_space<vmem>> -> memref<1x96xf32, #tpu.memory_space<vmem>>
          %dma_wait3A_774 = arith.constant 0 : i32
          %dma_wait3A_775 = tpu.memref_slice %arg3[%mul3A_767, %dma_wait3A_774] : memref<512x96xf32, #tpu.memory_space<hbm>> -> memref<1x96xf32, #tpu.memory_space<hbm>>
          %dma_wait3A_776 = tpu.memref_slice %run_scoped3A_9[%rem3A_769] : memref<2x!tpu.dma_semaphore, #tpu.memory_space<semaphore_mem>> -> memref<1x!tpu.dma_semaphore, #tpu.memory_space<semaphore_mem>>
          %dma_wait3A_777 = tpu.memref_squeeze %dma_wait3A_776 : memref<1x!tpu.dma_semaphore, #tpu.memory_space<semaphore_mem>> -> memref<!tpu.dma_semaphore, #tpu.memory_space<semaphore_mem>>
          %dma_wait3A_778 = arith.constant 0 : i32
          %dma_wait3A_779 = arith.constant 0 : i32
          %dma_wait3A_780 = tpu.memref_slice %run_scoped3A_8[%rem3A_769, %dma_wait3A_778, %dma_wait3A_779] : memref<2x1x96xf32, #tpu.memory_space<vmem>> -> memref<1x1x96xf32, #tpu.memory_space<vmem>>
          %dma_wait3A_781 = tpu.memref_squeeze %dma_wait3A_780 : memref<1x1x96xf32, #tpu.memory_space<vmem>> -> memref<1x96xf32, #tpu.memory_space<vmem>>
          %dma_wait3A_782 = arith.constant 0 : i32
          %dma_wait3A_783 = tpu.memref_slice %arg3[%mul3A_767, %dma_wait3A_782] : memref<512x96xf32, #tpu.memory_space<hbm>> -> memref<1x96xf32, #tpu.memory_space<hbm>>
          tpu.wait_dma2 semaphore(%dma_wait3A_777 : memref<!tpu.dma_semaphore, #tpu.memory_space<semaphore_mem>>) src(%dma_wait3A_783 : memref<1x96xf32, #tpu.memory_space<hbm>>) dst(%dma_wait3A_781 : memref<1x96xf32, #tpu.memory_space<vmem>>)
          "tpu.trace_stop"() : () -> ()
        } else {
        }
        %ne3A_510 = arith.cmpi ne, %add3A_341, %add3A_368 : i32
        %or3A_511 = arith.constant false
        %or3A_512 = arith.ori %or3A_511, %ne3A_510 : i1
        %or3A_513 = arith.constant false
        %or3A_514 = arith.ori %or3A_512, %or3A_513 : i1
        %or3A_515 = arith.ori %or3A_514, %eq3A_334 : i1
        %convert_element_type3A_516 = arith.extui %or3A_515 : i1 to i32
        %cond3A_517 = arith.constant 0 : i32
        %cond3A_518 = arith.cmpi ne, %convert_element_type3A_516, %cond3A_517 : i32
        scf.if %cond3A_518 {
          "tpu.trace_start"() <{level = 10 : i32, message = "ep_wait_in"}> : () -> ()
          %mul3A_766 = arith.constant 64 : i32
          %mul3A_767 = arith.muli %mul3A_766, %add3A_341 : i32
          %rem3A_768 = arith.constant 2 : i32
          %rem3A_769 = arith.remui %scan3A_327, %rem3A_768 : i32
          %dma_wait3A_770 = arith.constant 0 : i32
          %dma_wait3A_771 = arith.constant 0 : i32
          %dma_wait3A_772 = tpu.memref_slice %run_scoped3A_10[%rem3A_769, %dma_wait3A_770, %dma_wait3A_771] : memref<2x64x96xf32, #tpu.memory_space<vmem>> -> memref<1x64x96xf32, #tpu.memory_space<vmem>>
          %dma_wait3A_773 = tpu.memref_squeeze %dma_wait3A_772 : memref<1x64x96xf32, #tpu.memory_space<vmem>> -> memref<64x96xf32, #tpu.memory_space<vmem>>
          %dma_wait3A_774 = arith.constant 0 : i32
          %dma_wait3A_775 = tpu.memref_slice %arg4[%mul3A_767, %dma_wait3A_774] : memref<512x96xf32, #tpu.memory_space<hbm>> -> memref<64x96xf32, #tpu.memory_space<hbm>>
          %dma_wait3A_776 = tpu.memref_slice %run_scoped3A_11[%rem3A_769] : memref<2x!tpu.dma_semaphore, #tpu.memory_space<semaphore_mem>> -> memref<1x!tpu.dma_semaphore, #tpu.memory_space<semaphore_mem>>
          %dma_wait3A_777 = tpu.memref_squeeze %dma_wait3A_776 : memref<1x!tpu.dma_semaphore, #tpu.memory_space<semaphore_mem>> -> memref<!tpu.dma_semaphore, #tpu.memory_space<semaphore_mem>>
          %dma_wait3A_778 = arith.constant 0 : i32
          %dma_wait3A_779 = arith.constant 0 : i32
          %dma_wait3A_780 = tpu.memref_slice %run_scoped3A_10[%rem3A_769, %dma_wait3A_778, %dma_wait3A_779] : memref<2x64x96xf32, #tpu.memory_space<vmem>> -> memref<1x64x96xf32, #tpu.memory_space<vmem>>
          %dma_wait3A_781 = tpu.memref_squeeze %dma_wait3A_780 : memref<1x64x96xf32, #tpu.memory_space<vmem>> -> memref<64x96xf32, #tpu.memory_space<vmem>>
          %dma_wait3A_782 = arith.constant 0 : i32
          %dma_wait3A_783 = tpu.memref_slice %arg4[%mul3A_767, %dma_wait3A_782] : memref<512x96xf32, #tpu.memory_space<hbm>> -> memref<64x96xf32, #tpu.memory_space<hbm>>
          tpu.wait_dma2 semaphore(%dma_wait3A_777 : memref<!tpu.dma_semaphore, #tpu.memory_space<semaphore_mem>>) src(%dma_wait3A_783 : memref<64x96xf32, #tpu.memory_space<hbm>>) dst(%dma_wait3A_781 : memref<64x96xf32, #tpu.memory_space<vmem>>)
          "tpu.trace_stop"() : () -> ()
        } else {
        }
        %ne3A_519 = arith.cmpi ne, %add3A_338, %add3A_365 : i32
        %ne3A_520 = arith.cmpi ne, %add3A_339, %add3A_366 : i32
        %ne3A_521 = arith.cmpi ne, %add3A_341, %add3A_368 : i32
        %or3A_522 = arith.constant false
        %or3A_523 = arith.ori %or3A_522, %ne3A_519 : i1
        %or3A_524 = arith.ori %or3A_523, %ne3A_520 : i1
        %or3A_525 = arith.ori %or3A_524, %ne3A_521 : i1
        %or3A_526 = arith.constant false
        %or3A_527 = arith.ori %or3A_525, %or3A_526 : i1
        %or3A_528 = arith.ori %or3A_527, %eq3A_334 : i1
        %convert_element_type3A_529 = arith.extui %or3A_528 : i1 to i32
        %cond3A_530 = arith.constant 0 : i32
        %cond3A_531 = arith.cmpi ne, %convert_element_type3A_529, %cond3A_530 : i32
        scf.if %cond3A_531 {
        } else {
        }
        %rem3A_532 = arith.constant 2 : i32
        %rem3A_533 = arith.remui %scan3A_323, %rem3A_532 : i32
        %rem3A_534 = arith.constant 2 : i32
        %rem3A_535 = arith.remui %scan3A_325, %rem3A_534 : i32
        %rem3A_536 = arith.constant 2 : i32
        %rem3A_537 = arith.remui %scan3A_327, %rem3A_536 : i32
        %rem3A_538 = arith.constant 2 : i32
        %rem3A_539 = arith.remui %scan3A_328, %rem3A_538 : i32
        %get3A = arith.constant 0 : i32
        "tpu.trace_start"() <{level = 10 : i32, message = "ep_run_kernel"}> : () -> ()
        %get3A_540 = arith.constant 0 : i32
        %get3A_541 = arith.constant 0 : i32
        %get3A_542 = tpu.memref_slice %run_scoped3A_8[%rem3A_535, %get3A_540, %get3A_541] : memref<2x1x96xf32, #tpu.memory_space<vmem>> -> memref<1x1x96xf32, #tpu.memory_space<vmem>>
        %get3A_543 = tpu.memref_squeeze %get3A_542 : memref<1x1x96xf32, #tpu.memory_space<vmem>> -> memref<1x96xf32, #tpu.memory_space<vmem>>
        %get3A_544 = arith.index_cast %get3A : i32 to index
        %get3A_545 = arith.constant 0 : index
        %get3A_546 = tpu.vector_load %get3A_543[%get3A_544, %get3A_545] {strides = array<i32>} : memref<1x96xf32, #tpu.memory_space<vmem>>, vector<1x16xf32>,
        %get3A_547 = vector.shape_cast %get3A_546 : vector<1x16xf32> to vector<16xf32>
        %get3A_548 = arith.constant 0 : i32
        %get3A_549 = arith.constant 0 : i32
        %get3A_550 = arith.constant 0 : i32
        %get3A_551 = tpu.memref_slice %run_scoped3A_8[%rem3A_535, %get3A_549, %get3A_550] : memref<2x1x96xf32, #tpu.memory_space<vmem>> -> memref<1x1x96xf32, #tpu.memory_space<vmem>>
        %get3A_552 = tpu.memref_squeeze %get3A_551 : memref<1x1x96xf32, #tpu.memory_space<vmem>> -> memref<1x96xf32, #tpu.memory_space<vmem>>
        %get3A_553 = arith.index_cast %get3A_548 : i32 to index
        %get3A_554 = arith.constant 16 : index
        %get3A_555 = tpu.vector_load %get3A_552[%get3A_553, %get3A_554] {strides = array<i32>} : memref<1x96xf32, #tpu.memory_space<vmem>>, vector<1x16xf32>,
        %get3A_556 = vector.shape_cast %get3A_555 : vector<1x16xf32> to vector<16xf32>
        %get3A_557 = arith.constant 0 : i32
        %get3A_558 = arith.constant 0 : i32
        %get3A_559 = arith.constant 0 : i32
        %get3A_560 = tpu.memref_slice %run_scoped3A_8[%rem3A_535, %get3A_558, %get3A_559] : memref<2x1x96xf32, #tpu.memory_space<vmem>> -> memref<1x1x96xf32, #tpu.memory_space<vmem>>
        %get3A_561 = tpu.memref_squeeze %get3A_560 : memref<1x1x96xf32, #tpu.memory_space<vmem>> -> memref<1x96xf32, #tpu.memory_space<vmem>>
        %get3A_562 = arith.index_cast %get3A_557 : i32 to index
        %get3A_563 = arith.constant 32 : index
        %get3A_564 = tpu.vector_load %get3A_561[%get3A_562, %get3A_563] {strides = array<i32>} : memref<1x96xf32, #tpu.memory_space<vmem>>, vector<1x16xf32>,
        %get3A_565 = vector.shape_cast %get3A_564 : vector<1x16xf32> to vector<16xf32>
        %get3A_566 = arith.constant 0 : i32
        %get3A_567 = arith.constant 0 : i32
        %get3A_568 = arith.constant 0 : i32
        %get3A_569 = tpu.memref_slice %run_scoped3A_8[%rem3A_535, %get3A_567, %get3A_568] : memref<2x1x96xf32, #tpu.memory_space<vmem>> -> memref<1x1x96xf32, #tpu.memory_space<vmem>>
        %get3A_570 = tpu.memref_squeeze %get3A_569 : memref<1x1x96xf32, #tpu.memory_space<vmem>> -> memref<1x96xf32, #tpu.memory_space<vmem>>
        %get3A_571 = arith.index_cast %get3A_566 : i32 to index
        %get3A_572 = arith.constant 48 : index
        %get3A_573 = tpu.vector_load %get3A_570[%get3A_571, %get3A_572] {strides = array<i32>} : memref<1x96xf32, #tpu.memory_space<vmem>>, vector<1x16xf32>,
        %get3A_574 = vector.shape_cast %get3A_573 : vector<1x16xf32> to vector<16xf32>
        %get3A_575 = arith.constant 0 : i32
        %get3A_576 = arith.constant 0 : i32
        %get3A_577 = arith.constant 0 : i32
        %get3A_578 = tpu.memref_slice %run_scoped3A_8[%rem3A_535, %get3A_576, %get3A_577] : memref<2x1x96xf32, #tpu.memory_space<vmem>> -> memref<1x1x96xf32, #tpu.memory_space<vmem>>
        %get3A_579 = tpu.memref_squeeze %get3A_578 : memref<1x1x96xf32, #tpu.memory_space<vmem>> -> memref<1x96xf32, #tpu.memory_space<vmem>>
        %get3A_580 = arith.index_cast %get3A_575 : i32 to index
        %get3A_581 = arith.constant 64 : index
        %get3A_582 = tpu.vector_load %get3A_579[%get3A_580, %get3A_581] {strides = array<i32>} : memref<1x96xf32, #tpu.memory_space<vmem>>, vector<1x16xf32>,
        %get3A_583 = vector.shape_cast %get3A_582 : vector<1x16xf32> to vector<16xf32>
        %get3A_584 = arith.constant 0 : i32
        %get3A_585 = arith.constant 0 : i32
        %get3A_586 = arith.constant 0 : i32
        %get3A_587 = tpu.memref_slice %run_scoped3A_8[%rem3A_535, %get3A_585, %get3A_586] : memref<2x1x96xf32, #tpu.memory_space<vmem>> -> memref<1x1x96xf32, #tpu.memory_space<vmem>>
        %get3A_588 = tpu.memref_squeeze %get3A_587 : memref<1x1x96xf32, #tpu.memory_space<vmem>> -> memref<1x96xf32, #tpu.memory_space<vmem>>
        %get3A_589 = arith.index_cast %get3A_584 : i32 to index
        %get3A_590 = arith.constant 80 : index
        %get3A_591 = tpu.vector_load %get3A_588[%get3A_589, %get3A_590] {strides = array<i32>} : memref<1x96xf32, #tpu.memory_space<vmem>>, vector<1x16xf32>,
        %get3A_592 = vector.shape_cast %get3A_591 : vector<1x16xf32> to vector<16xf32>
        %parallel_loop3A = arith.constant 0 : i32
        %parallel_loop3A_593 = arith.constant 64 : i32
        %parallel_loop3A_594 = arith.constant 1 : i32
        scf.for %parallel_loop3A_766 = %parallel_loop3A to %parallel_loop3A_593 step %parallel_loop3A_594  : i32 {
          %parallel_loop3A_767 = arith.constant 0 : i32
          %parallel_loop3A_768 = arith.constant 0 : i32
          %parallel_loop3A_769 = tpu.memref_slice %run_scoped3A_10[%rem3A_537, %parallel_loop3A_767, %parallel_loop3A_768] : memref<2x64x96xf32, #tpu.memory_space<vmem>> -> memref<1x64x96xf32, #tpu.memory_space<vmem>>
          %parallel_loop3A_770 = tpu.memref_squeeze %parallel_loop3A_769 : memref<1x64x96xf32, #tpu.memory_space<vmem>> -> memref<64x96xf32, #tpu.memory_space<vmem>>
          %parallel_loop3A_771 = arith.index_cast %parallel_loop3A_766 : i32 to index
          %parallel_loop3A_772 = arith.constant 0 : index
          %parallel_loop3A_773 = tpu.vector_load %parallel_loop3A_770[%parallel_loop3A_771, %parallel_loop3A_772] {strides = array<i32>} : memref<64x96xf32, #tpu.memory_space<vmem>>, vector<1x16xf32>,
          %parallel_loop3A_774 = vector.shape_cast %parallel_loop3A_773 : vector<1x16xf32> to vector<16xf32>
          %parallel_loop3A_775 = arith.constant 0 : i32
          %parallel_loop3A_776 = arith.constant 0 : i32
          %parallel_loop3A_777 = arith.constant 0 : i32
          %parallel_loop3A_778 = arith.constant 0 : i32
          %parallel_loop3A_779 = arith.constant 0 : i32
          %parallel_loop3A_780 = arith.constant 0 : i32
          %parallel_loop3A_781 = tpu.memref_slice %run_scoped3A[%rem3A_533, %parallel_loop3A_777, %parallel_loop3A_778, %parallel_loop3A_779, %parallel_loop3A_780] : memref<2x1x1x64x96xf32, #tpu.memory_space<vmem>> -> memref<1x1x1x64x96xf32, #tpu.memory_space<vmem>>
          %parallel_loop3A_782 = tpu.memref_squeeze %parallel_loop3A_781 : memref<1x1x1x64x96xf32, #tpu.memory_space<vmem>> -> memref<1x1x64x96xf32, #tpu.memory_space<vmem>>
          %parallel_loop3A_783 = arith.index_cast %parallel_loop3A_775 : i32 to index
          %parallel_loop3A_784 = arith.index_cast %parallel_loop3A_776 : i32 to index
          %parallel_loop3A_785 = arith.index_cast %parallel_loop3A_766 : i32 to index
          %parallel_loop3A_786 = arith.constant 0 : index
          %parallel_loop3A_787 = tpu.vector_load %parallel_loop3A_782[%parallel_loop3A_783, %parallel_loop3A_784, %parallel_loop3A_785, %parallel_loop3A_786] {strides = array<i32>} : memref<1x1x64x96xf32, #tpu.memory_space<vmem>>, vector<1x1x1x16xf32>,
          %parallel_loop3A_788 = vector.shape_cast %parallel_loop3A_787 : vector<1x1x1x16xf32> to vector<16xf32>
          %parallel_loop3A_789 = arith.addf %parallel_loop3A_788, %get3A_547 : vector<16xf32>
          %parallel_loop3A_790 = arith.addf %parallel_loop3A_789, %parallel_loop3A_774 : vector<16xf32>
          %parallel_loop3A_791 = arith.constant 0 : i32
          %parallel_loop3A_792 = arith.constant 0 : i32
          %parallel_loop3A_793 = arith.constant 0 : i32
          %parallel_loop3A_794 = arith.constant 0 : i32
          %parallel_loop3A_795 = arith.constant 0 : i32
          %parallel_loop3A_796 = arith.constant 0 : i32
          %parallel_loop3A_797 = tpu.memref_slice %run_scoped3A_12[%rem3A_539, %parallel_loop3A_793, %parallel_loop3A_794, %parallel_loop3A_795, %parallel_loop3A_796] : memref<2x1x1x64x96xf32, #tpu.memory_space<vmem>> -> memref<1x1x1x64x96xf32, #tpu.memory_space<vmem>>
          %parallel_loop3A_798 = tpu.memref_squeeze %parallel_loop3A_797 : memref<1x1x1x64x96xf32, #tpu.memory_space<vmem>> -> memref<1x1x64x96xf32, #tpu.memory_space<vmem>>
          %parallel_loop3A_799 = arith.index_cast %parallel_loop3A_791 : i32 to index
          %parallel_loop3A_800 = arith.index_cast %parallel_loop3A_792 : i32 to index
          %parallel_loop3A_801 = arith.index_cast %parallel_loop3A_766 : i32 to index
          %parallel_loop3A_802 = arith.constant 0 : index
          %parallel_loop3A_803 = tpu.vector_load %parallel_loop3A_798[%parallel_loop3A_799, %parallel_loop3A_800, %parallel_loop3A_801, %parallel_loop3A_802] {strides = array<i32>} : memref<1x1x64x96xf32, #tpu.memory_space<vmem>>, vector<1x1x1x16xf32>,
          %parallel_loop3A_804 = vector.shape_cast %parallel_loop3A_803 : vector<1x1x1x16xf32> to vector<16xf32>
          %parallel_loop3A_805 = vector.shape_cast %parallel_loop3A_790 : vector<16xf32> to vector<1x1x1x16xf32>
          tpu.vector_store %parallel_loop3A_798[%parallel_loop3A_799, %parallel_loop3A_800, %parallel_loop3A_801, %parallel_loop3A_802], %parallel_loop3A_805 {strides = array<i32>} : memref<1x1x64x96xf32, #tpu.memory_space<vmem>>, vector<1x1x1x16xf32>,
          %parallel_loop3A_806 = arith.constant 0 : i32
          %parallel_loop3A_807 = arith.constant 0 : i32
          %parallel_loop3A_808 = tpu.memref_slice %run_scoped3A_10[%rem3A_537, %parallel_loop3A_806, %parallel_loop3A_807] : memref<2x64x96xf32, #tpu.memory_space<vmem>> -> memref<1x64x96xf32, #tpu.memory_space<vmem>>
          %parallel_loop3A_809 = tpu.memref_squeeze %parallel_loop3A_808 : memref<1x64x96xf32, #tpu.memory_space<vmem>> -> memref<64x96xf32, #tpu.memory_space<vmem>>
          %parallel_loop3A_810 = arith.index_cast %parallel_loop3A_766 : i32 to index
          %parallel_loop3A_811 = arith.constant 16 : index
          %parallel_loop3A_812 = tpu.vector_load %parallel_loop3A_809[%parallel_loop3A_810, %parallel_loop3A_811] {strides = array<i32>} : memref<64x96xf32, #tpu.memory_space<vmem>>, vector<1x16xf32>,
          %parallel_loop3A_813 = vector.shape_cast %parallel_loop3A_812 : vector<1x16xf32> to vector<16xf32>
          %parallel_loop3A_814 = arith.constant 0 : i32
          %parallel_loop3A_815 = arith.constant 0 : i32
          %parallel_loop3A_816 = arith.constant 0 : i32
          %parallel_loop3A_817 = arith.constant 0 : i32
          %parallel_loop3A_818 = arith.constant 0 : i32
          %parallel_loop3A_819 = arith.constant 0 : i32
          %parallel_loop3A_820 = tpu.memref_slice %run_scoped3A[%rem3A_533, %parallel_loop3A_816, %parallel_loop3A_817, %parallel_loop3A_818, %parallel_loop3A_819] : memref<2x1x1x64x96xf32, #tpu.memory_space<vmem>> -> memref<1x1x1x64x96xf32, #tpu.memory_space<vmem>>
          %parallel_loop3A_821 = tpu.memref_squeeze %parallel_loop3A_820 : memref<1x1x1x64x96xf32, #tpu.memory_space<vmem>> -> memref<1x1x64x96xf32, #tpu.memory_space<vmem>>
          %parallel_loop3A_822 = arith.index_cast %parallel_loop3A_814 : i32 to index
          %parallel_loop3A_823 = arith.index_cast %parallel_loop3A_815 : i32 to index
          %parallel_loop3A_824 = arith.index_cast %parallel_loop3A_766 : i32 to index
          %parallel_loop3A_825 = arith.constant 16 : index
          %parallel_loop3A_826 = tpu.vector_load %parallel_loop3A_821[%parallel_loop3A_822, %parallel_loop3A_823, %parallel_loop3A_824, %parallel_loop3A_825] {strides = array<i32>} : memref<1x1x64x96xf32, #tpu.memory_space<vmem>>, vector<1x1x1x16xf32>,
          %parallel_loop3A_827 = vector.shape_cast %parallel_loop3A_826 : vector<1x1x1x16xf32> to vector<16xf32>
          %parallel_loop3A_828 = arith.addf %parallel_loop3A_827, %get3A_556 : vector<16xf32>
          %parallel_loop3A_829 = arith.addf %parallel_loop3A_828, %parallel_loop3A_813 : vector<16xf32>
          %parallel_loop3A_830 = arith.constant 0 : i32
          %parallel_loop3A_831 = arith.constant 0 : i32
          %parallel_loop3A_832 = arith.constant 0 : i32
          %parallel_loop3A_833 = arith.constant 0 : i32
          %parallel_loop3A_834 = arith.constant 0 : i32
          %parallel_loop3A_835 = arith.constant 0 : i32
          %parallel_loop3A_836 = tpu.memref_slice %run_scoped3A_12[%rem3A_539, %parallel_loop3A_832, %parallel_loop3A_833, %parallel_loop3A_834, %parallel_loop3A_835] : memref<2x1x1x64x96xf32, #tpu.memory_space<vmem>> -> memref<1x1x1x64x96xf32, #tpu.memory_space<vmem>>
          %parallel_loop3A_837 = tpu.memref_squeeze %parallel_loop3A_836 : memref<1x1x1x64x96xf32, #tpu.memory_space<vmem>> -> memref<1x1x64x96xf32, #tpu.memory_space<vmem>>
          %parallel_loop3A_838 = arith.index_cast %parallel_loop3A_830 : i32 to index
          %parallel_loop3A_839 = arith.index_cast %parallel_loop3A_831 : i32 to index
          %parallel_loop3A_840 = arith.index_cast %parallel_loop3A_766 : i32 to index
          %parallel_loop3A_841 = arith.constant 16 : index
          %parallel_loop3A_842 = tpu.vector_load %parallel_loop3A_837[%parallel_loop3A_838, %parallel_loop3A_839, %parallel_loop3A_840, %parallel_loop3A_841] {strides = array<i32>} : memref<1x1x64x96xf32, #tpu.memory_space<vmem>>, vector<1x1x1x16xf32>,
          %parallel_loop3A_843 = vector.shape_cast %parallel_loop3A_842 : vector<1x1x1x16xf32> to vector<16xf32>
          %parallel_loop3A_844 = vector.shape_cast %parallel_loop3A_829 : vector<16xf32> to vector<1x1x1x16xf32>
          tpu.vector_store %parallel_loop3A_837[%parallel_loop3A_838, %parallel_loop3A_839, %parallel_loop3A_840, %parallel_loop3A_841], %parallel_loop3A_844 {strides = array<i32>} : memref<1x1x64x96xf32, #tpu.memory_space<vmem>>, vector<1x1x1x16xf32>,
          %parallel_loop3A_845 = arith.constant 0 : i32
          %parallel_loop3A_846 = arith.constant 0 : i32
          %parallel_loop3A_847 = tpu.memref_slice %run_scoped3A_10[%rem3A_537, %parallel_loop3A_845, %parallel_loop3A_846] : memref<2x64x96xf32, #tpu.memory_space<vmem>> -> memref<1x64x96xf32, #tpu.memory_space<vmem>>
          %parallel_loop3A_848 = tpu.memref_squeeze %parallel_loop3A_847 : memref<1x64x96xf32, #tpu.memory_space<vmem>> -> memref<64x96xf32, #tpu.memory_space<vmem>>
          %parallel_loop3A_849 = arith.index_cast %parallel_loop3A_766 : i32 to index
          %parallel_loop3A_850 = arith.constant 32 : index
          %parallel_loop3A_851 = tpu.vector_load %parallel_loop3A_848[%parallel_loop3A_849, %parallel_loop3A_850] {strides = array<i32>} : memref<64x96xf32, #tpu.memory_space<vmem>>, vector<1x16xf32>,
          %parallel_loop3A_852 = vector.shape_cast %parallel_loop3A_851 : vector<1x16xf32> to vector<16xf32>
          %parallel_loop3A_853 = arith.constant 0 : i32
          %parallel_loop3A_854 = arith.constant 0 : i32
          %parallel_loop3A_855 = arith.constant 0 : i32
          %parallel_loop3A_856 = arith.constant 0 : i32
          %parallel_loop3A_857 = arith.constant 0 : i32
          %parallel_loop3A_858 = arith.constant 0 : i32
          %parallel_loop3A_859 = tpu.memref_slice %run_scoped3A[%rem3A_533, %parallel_loop3A_855, %parallel_loop3A_856, %parallel_loop3A_857, %parallel_loop3A_858] : memref<2x1x1x64x96xf32, #tpu.memory_space<vmem>> -> memref<1x1x1x64x96xf32, #tpu.memory_space<vmem>>
          %parallel_loop3A_860 = tpu.memref_squeeze %parallel_loop3A_859 : memref<1x1x1x64x96xf32, #tpu.memory_space<vmem>> -> memref<1x1x64x96xf32, #tpu.memory_space<vmem>>
          %parallel_loop3A_861 = arith.index_cast %parallel_loop3A_853 : i32 to index
          %parallel_loop3A_862 = arith.index_cast %parallel_loop3A_854 : i32 to index
          %parallel_loop3A_863 = arith.index_cast %parallel_loop3A_766 : i32 to index
          %parallel_loop3A_864 = arith.constant 32 : index
          %parallel_loop3A_865 = tpu.vector_load %parallel_loop3A_860[%parallel_loop3A_861, %parallel_loop3A_862, %parallel_loop3A_863, %parallel_loop3A_864] {strides = array<i32>} : memref<1x1x64x96xf32, #tpu.memory_space<vmem>>, vector<1x1x1x16xf32>,
          %parallel_loop3A_866 = vector.shape_cast %parallel_loop3A_865 : vector<1x1x1x16xf32> to vector<16xf32>
          %parallel_loop3A_867 = arith.addf %parallel_loop3A_866, %get3A_565 : vector<16xf32>
          %parallel_loop3A_868 = arith.addf %parallel_loop3A_867, %parallel_loop3A_852 : vector<16xf32>
          %parallel_loop3A_869 = arith.constant 0 : i32
          %parallel_loop3A_870 = arith.constant 0 : i32
          %parallel_loop3A_871 = arith.constant 0 : i32
          %parallel_loop3A_872 = arith.constant 0 : i32
          %parallel_loop3A_873 = arith.constant 0 : i32
          %parallel_loop3A_874 = arith.constant 0 : i32
          %parallel_loop3A_875 = tpu.memref_slice %run_scoped3A_12[%rem3A_539, %parallel_loop3A_871, %parallel_loop3A_872, %parallel_loop3A_873, %parallel_loop3A_874] : memref<2x1x1x64x96xf32, #tpu.memory_space<vmem>> -> memref<1x1x1x64x96xf32, #tpu.memory_space<vmem>>
          %parallel_loop3A_876 = tpu.memref_squeeze %parallel_loop3A_875 : memref<1x1x1x64x96xf32, #tpu.memory_space<vmem>> -> memref<1x1x64x96xf32, #tpu.memory_space<vmem>>
          %parallel_loop3A_877 = arith.index_cast %parallel_loop3A_869 : i32 to index
          %parallel_loop3A_878 = arith.index_cast %parallel_loop3A_870 : i32 to index
          %parallel_loop3A_879 = arith.index_cast %parallel_loop3A_766 : i32 to index
          %parallel_loop3A_880 = arith.constant 32 : index
          %parallel_loop3A_881 = tpu.vector_load %parallel_loop3A_876[%parallel_loop3A_877, %parallel_loop3A_878, %parallel_loop3A_879, %parallel_loop3A_880] {strides = array<i32>} : memref<1x1x64x96xf32, #tpu.memory_space<vmem>>, vector<1x1x1x16xf32>,
          %parallel_loop3A_882 = vector.shape_cast %parallel_loop3A_881 : vector<1x1x1x16xf32> to vector<16xf32>
          %parallel_loop3A_883 = vector.shape_cast %parallel_loop3A_868 : vector<16xf32> to vector<1x1x1x16xf32>
          tpu.vector_store %parallel_loop3A_876[%parallel_loop3A_877, %parallel_loop3A_878, %parallel_loop3A_879, %parallel_loop3A_880], %parallel_loop3A_883 {strides = array<i32>} : memref<1x1x64x96xf32, #tpu.memory_space<vmem>>, vector<1x1x1x16xf32>,
          %parallel_loop3A_884 = arith.constant 0 : i32
          %parallel_loop3A_885 = arith.constant 0 : i32
          %parallel_loop3A_886 = tpu.memref_slice %run_scoped3A_10[%rem3A_537, %parallel_loop3A_884, %parallel_loop3A_885] : memref<2x64x96xf32, #tpu.memory_space<vmem>> -> memref<1x64x96xf32, #tpu.memory_space<vmem>>
          %parallel_loop3A_887 = tpu.memref_squeeze %parallel_loop3A_886 : memref<1x64x96xf32, #tpu.memory_space<vmem>> -> memref<64x96xf32, #tpu.memory_space<vmem>>
          %parallel_loop3A_888 = arith.index_cast %parallel_loop3A_766 : i32 to index
          %parallel_loop3A_889 = arith.constant 48 : index
          %parallel_loop3A_890 = tpu.vector_load %parallel_loop3A_887[%parallel_loop3A_888, %parallel_loop3A_889] {strides = array<i32>} : memref<64x96xf32, #tpu.memory_space<vmem>>, vector<1x16xf32>,
          %parallel_loop3A_891 = vector.shape_cast %parallel_loop3A_890 : vector<1x16xf32> to vector<16xf32>
          %parallel_loop3A_892 = arith.constant 0 : i32
          %parallel_loop3A_893 = arith.constant 0 : i32
          %parallel_loop3A_894 = arith.constant 0 : i32
          %parallel_loop3A_895 = arith.constant 0 : i32
          %parallel_loop3A_896 = arith.constant 0 : i32
          %parallel_loop3A_897 = arith.constant 0 : i32
          %parallel_loop3A_898 = tpu.memref_slice %run_scoped3A[%rem3A_533, %parallel_loop3A_894, %parallel_loop3A_895, %parallel_loop3A_896, %parallel_loop3A_897] : memref<2x1x1x64x96xf32, #tpu.memory_space<vmem>> -> memref<1x1x1x64x96xf32, #tpu.memory_space<vmem>>
          %parallel_loop3A_899 = tpu.memref_squeeze %parallel_loop3A_898 : memref<1x1x1x64x96xf32, #tpu.memory_space<vmem>> -> memref<1x1x64x96xf32, #tpu.memory_space<vmem>>
          %parallel_loop3A_900 = arith.index_cast %parallel_loop3A_892 : i32 to index
          %parallel_loop3A_901 = arith.index_cast %parallel_loop3A_893 : i32 to index
          %parallel_loop3A_902 = arith.index_cast %parallel_loop3A_766 : i32 to index
          %parallel_loop3A_903 = arith.constant 48 : index
          %parallel_loop3A_904 = tpu.vector_load %parallel_loop3A_899[%parallel_loop3A_900, %parallel_loop3A_901, %parallel_loop3A_902, %parallel_loop3A_903] {strides = array<i32>} : memref<1x1x64x96xf32, #tpu.memory_space<vmem>>, vector<1x1x1x16xf32>,
          %parallel_loop3A_905 = vector.shape_cast %parallel_loop3A_904 : vector<1x1x1x16xf32> to vector<16xf32>
          %parallel_loop3A_906 = arith.addf %parallel_loop3A_905, %get3A_574 : vector<16xf32>
          %parallel_loop3A_907 = arith.addf %parallel_loop3A_906, %parallel_loop3A_891 : vector<16xf32>
          %parallel_loop3A_908 = arith.constant 0 : i32
          %parallel_loop3A_909 = arith.constant 0 : i32
          %parallel_loop3A_910 = arith.constant 0 : i32
          %parallel_loop3A_911 = arith.constant 0 : i32
          %parallel_loop3A_912 = arith.constant 0 : i32
          %parallel_loop3A_913 = arith.constant 0 : i32
          %parallel_loop3A_914 = tpu.memref_slice %run_scoped3A_12[%rem3A_539, %parallel_loop3A_910, %parallel_loop3A_911, %parallel_loop3A_912, %parallel_loop3A_913] : memref<2x1x1x64x96xf32, #tpu.memory_space<vmem>> -> memref<1x1x1x64x96xf32, #tpu.memory_space<vmem>>
          %parallel_loop3A_915 = tpu.memref_squeeze %parallel_loop3A_914 : memref<1x1x1x64x96xf32, #tpu.memory_space<vmem>> -> memref<1x1x64x96xf32, #tpu.memory_space<vmem>>
          %parallel_loop3A_916 = arith.index_cast %parallel_loop3A_908 : i32 to index
          %parallel_loop3A_917 = arith.index_cast %parallel_loop3A_909 : i32 to index
          %parallel_loop3A_918 = arith.index_cast %parallel_loop3A_766 : i32 to index
          %parallel_loop3A_919 = arith.constant 48 : index
          %parallel_loop3A_920 = tpu.vector_load %parallel_loop3A_915[%parallel_loop3A_916, %parallel_loop3A_917, %parallel_loop3A_918, %parallel_loop3A_919] {strides = array<i32>} : memref<1x1x64x96xf32, #tpu.memory_space<vmem>>, vector<1x1x1x16xf32>,
          %parallel_loop3A_921 = vector.shape_cast %parallel_loop3A_920 : vector<1x1x1x16xf32> to vector<16xf32>
          %parallel_loop3A_922 = vector.shape_cast %parallel_loop3A_907 : vector<16xf32> to vector<1x1x1x16xf32>
          tpu.vector_store %parallel_loop3A_915[%parallel_loop3A_916, %parallel_loop3A_917, %parallel_loop3A_918, %parallel_loop3A_919], %parallel_loop3A_922 {strides = array<i32>} : memref<1x1x64x96xf32, #tpu.memory_space<vmem>>, vector<1x1x1x16xf32>,
          %parallel_loop3A_923 = arith.constant 0 : i32
          %parallel_loop3A_924 = arith.constant 0 : i32
          %parallel_loop3A_925 = tpu.memref_slice %run_scoped3A_10[%rem3A_537, %parallel_loop3A_923, %parallel_loop3A_924] : memref<2x64x96xf32, #tpu.memory_space<vmem>> -> memref<1x64x96xf32, #tpu.memory_space<vmem>>
          %parallel_loop3A_926 = tpu.memref_squeeze %parallel_loop3A_925 : memref<1x64x96xf32, #tpu.memory_space<vmem>> -> memref<64x96xf32, #tpu.memory_space<vmem>>
          %parallel_loop3A_927 = arith.index_cast %parallel_loop3A_766 : i32 to index
          %parallel_loop3A_928 = arith.constant 64 : index
          %parallel_loop3A_929 = tpu.vector_load %parallel_loop3A_926[%parallel_loop3A_927, %parallel_loop3A_928] {strides = array<i32>} : memref<64x96xf32, #tpu.memory_space<vmem>>, vector<1x16xf32>,
          %parallel_loop3A_930 = vector.shape_cast %parallel_loop3A_929 : vector<1x16xf32> to vector<16xf32>
          %parallel_loop3A_931 = arith.constant 0 : i32
          %parallel_loop3A_932 = arith.constant 0 : i32
          %parallel_loop3A_933 = arith.constant 0 : i32
          %parallel_loop3A_934 = arith.constant 0 : i32
          %parallel_loop3A_935 = arith.constant 0 : i32
          %parallel_loop3A_936 = arith.constant 0 : i32
          %parallel_loop3A_937 = tpu.memref_slice %run_scoped3A[%rem3A_533, %parallel_loop3A_933, %parallel_loop3A_934, %parallel_loop3A_935, %parallel_loop3A_936] : memref<2x1x1x64x96xf32, #tpu.memory_space<vmem>> -> memref<1x1x1x64x96xf32, #tpu.memory_space<vmem>>
          %parallel_loop3A_938 = tpu.memref_squeeze %parallel_loop3A_937 : memref<1x1x1x64x96xf32, #tpu.memory_space<vmem>> -> memref<1x1x64x96xf32, #tpu.memory_space<vmem>>
          %parallel_loop3A_939 = arith.index_cast %parallel_loop3A_931 : i32 to index
          %parallel_loop3A_940 = arith.index_cast %parallel_loop3A_932 : i32 to index
          %parallel_loop3A_941 = arith.index_cast %parallel_loop3A_766 : i32 to index
          %parallel_loop3A_942 = arith.constant 64 : index
          %parallel_loop3A_943 = tpu.vector_load %parallel_loop3A_938[%parallel_loop3A_939, %parallel_loop3A_940, %parallel_loop3A_941, %parallel_loop3A_942] {strides = array<i32>} : memref<1x1x64x96xf32, #tpu.memory_space<vmem>>, vector<1x1x1x16xf32>,
          %parallel_loop3A_944 = vector.shape_cast %parallel_loop3A_943 : vector<1x1x1x16xf32> to vector<16xf32>
          %parallel_loop3A_945 = arith.addf %parallel_loop3A_944, %get3A_583 : vector<16xf32>
          %parallel_loop3A_946 = arith.addf %parallel_loop3A_945, %parallel_loop3A_930 : vector<16xf32>
          %parallel_loop3A_947 = arith.constant 0 : i32
          %parallel_loop3A_948 = arith.constant 0 : i32
          %parallel_loop3A_949 = arith.constant 0 : i32
          %parallel_loop3A_950 = arith.constant 0 : i32
          %parallel_loop3A_951 = arith.constant 0 : i32
          %parallel_loop3A_952 = arith.constant 0 : i32
          %parallel_loop3A_953 = tpu.memref_slice %run_scoped3A_12[%rem3A_539, %parallel_loop3A_949, %parallel_loop3A_950, %parallel_loop3A_951, %parallel_loop3A_952] : memref<2x1x1x64x96xf32, #tpu.memory_space<vmem>> -> memref<1x1x1x64x96xf32, #tpu.memory_space<vmem>>
          %parallel_loop3A_954 = tpu.memref_squeeze %parallel_loop3A_953 : memref<1x1x1x64x96xf32, #tpu.memory_space<vmem>> -> memref<1x1x64x96xf32, #tpu.memory_space<vmem>>
          %parallel_loop3A_955 = arith.index_cast %parallel_loop3A_947 : i32 to index
          %parallel_loop3A_956 = arith.index_cast %parallel_loop3A_948 : i32 to index
          %parallel_loop3A_957 = arith.index_cast %parallel_loop3A_766 : i32 to index
          %parallel_loop3A_958 = arith.constant 64 : index
          %parallel_loop3A_959 = tpu.vector_load %parallel_loop3A_954[%parallel_loop3A_955, %parallel_loop3A_956, %parallel_loop3A_957, %parallel_loop3A_958] {strides = array<i32>} : memref<1x1x64x96xf32, #tpu.memory_space<vmem>>, vector<1x1x1x16xf32>,
          %parallel_loop3A_960 = vector.shape_cast %parallel_loop3A_959 : vector<1x1x1x16xf32> to vector<16xf32>
          %parallel_loop3A_961 = vector.shape_cast %parallel_loop3A_946 : vector<16xf32> to vector<1x1x1x16xf32>
          tpu.vector_store %parallel_loop3A_954[%parallel_loop3A_955, %parallel_loop3A_956, %parallel_loop3A_957, %parallel_loop3A_958], %parallel_loop3A_961 {strides = array<i32>} : memref<1x1x64x96xf32, #tpu.memory_space<vmem>>, vector<1x1x1x16xf32>,
          %parallel_loop3A_962 = arith.constant 0 : i32
          %parallel_loop3A_963 = arith.constant 0 : i32
          %parallel_loop3A_964 = tpu.memref_slice %run_scoped3A_10[%rem3A_537, %parallel_loop3A_962, %parallel_loop3A_963] : memref<2x64x96xf32, #tpu.memory_space<vmem>> -> memref<1x64x96xf32, #tpu.memory_space<vmem>>
          %parallel_loop3A_965 = tpu.memref_squeeze %parallel_loop3A_964 : memref<1x64x96xf32, #tpu.memory_space<vmem>> -> memref<64x96xf32, #tpu.memory_space<vmem>>
          %parallel_loop3A_966 = arith.index_cast %parallel_loop3A_766 : i32 to index
          %parallel_loop3A_967 = arith.constant 80 : index
          %parallel_loop3A_968 = tpu.vector_load %parallel_loop3A_965[%parallel_loop3A_966, %parallel_loop3A_967] {strides = array<i32>} : memref<64x96xf32, #tpu.memory_space<vmem>>, vector<1x16xf32>,
          %parallel_loop3A_969 = vector.shape_cast %parallel_loop3A_968 : vector<1x16xf32> to vector<16xf32>
          %parallel_loop3A_970 = arith.constant 0 : i32
          %parallel_loop3A_971 = arith.constant 0 : i32
          %parallel_loop3A_972 = arith.constant 0 : i32
          %parallel_loop3A_973 = arith.constant 0 : i32
          %parallel_loop3A_974 = arith.constant 0 : i32
          %parallel_loop3A_975 = arith.constant 0 : i32
          %parallel_loop3A_976 = tpu.memref_slice %run_scoped3A[%rem3A_533, %parallel_loop3A_972, %parallel_loop3A_973, %parallel_loop3A_974, %parallel_loop3A_975] : memref<2x1x1x64x96xf32, #tpu.memory_space<vmem>> -> memref<1x1x1x64x96xf32, #tpu.memory_space<vmem>>
          %parallel_loop3A_977 = tpu.memref_squeeze %parallel_loop3A_976 : memref<1x1x1x64x96xf32, #tpu.memory_space<vmem>> -> memref<1x1x64x96xf32, #tpu.memory_space<vmem>>
          %parallel_loop3A_978 = arith.index_cast %parallel_loop3A_970 : i32 to index
          %parallel_loop3A_979 = arith.index_cast %parallel_loop3A_971 : i32 to index
          %parallel_loop3A_980 = arith.index_cast %parallel_loop3A_766 : i32 to index
          %parallel_loop3A_981 = arith.constant 80 : index
          %parallel_loop3A_982 = tpu.vector_load %parallel_loop3A_977[%parallel_loop3A_978, %parallel_loop3A_979, %parallel_loop3A_980, %parallel_loop3A_981] {strides = array<i32>} : memref<1x1x64x96xf32, #tpu.memory_space<vmem>>, vector<1x1x1x16xf32>,
          %parallel_loop3A_983 = vector.shape_cast %parallel_loop3A_982 : vector<1x1x1x16xf32> to vector<16xf32>
          %parallel_loop3A_984 = arith.addf %parallel_loop3A_983, %get3A_592 : vector<16xf32>
          %parallel_loop3A_985 = arith.addf %parallel_loop3A_984, %parallel_loop3A_969 : vector<16xf32>
          %parallel_loop3A_986 = arith.constant 0 : i32
          %parallel_loop3A_987 = arith.constant 0 : i32
          %parallel_loop3A_988 = arith.constant 0 : i32
          %parallel_loop3A_989 = arith.constant 0 : i32
          %parallel_loop3A_990 = arith.constant 0 : i32
          %parallel_loop3A_991 = arith.constant 0 : i32
          %parallel_loop3A_992 = tpu.memref_slice %run_scoped3A_12[%rem3A_539, %parallel_loop3A_988, %parallel_loop3A_989, %parallel_loop3A_990, %parallel_loop3A_991] : memref<2x1x1x64x96xf32, #tpu.memory_space<vmem>> -> memref<1x1x1x64x96xf32, #tpu.memory_space<vmem>>
          %parallel_loop3A_993 = tpu.memref_squeeze %parallel_loop3A_992 : memref<1x1x1x64x96xf32, #tpu.memory_space<vmem>> -> memref<1x1x64x96xf32, #tpu.memory_space<vmem>>
          %parallel_loop3A_994 = arith.index_cast %parallel_loop3A_986 : i32 to index
          %parallel_loop3A_995 = arith.index_cast %parallel_loop3A_987 : i32 to index
          %parallel_loop3A_996 = arith.index_cast %parallel_loop3A_766 : i32 to index
          %parallel_loop3A_997 = arith.constant 80 : index
          %parallel_loop3A_998 = tpu.vector_load %parallel_loop3A_993[%parallel_loop3A_994, %parallel_loop3A_995, %parallel_loop3A_996, %parallel_loop3A_997] {strides = array<i32>} : memref<1x1x64x96xf32, #tpu.memory_space<vmem>>, vector<1x1x1x16xf32>,
          %parallel_loop3A_999 = vector.shape_cast %parallel_loop3A_998 : vector<1x1x1x16xf32> to vector<16xf32>
          %parallel_loop3A_1000 = vector.shape_cast %parallel_loop3A_985 : vector<16xf32> to vector<1x1x1x16xf32>
          tpu.vector_store %parallel_loop3A_993[%parallel_loop3A_994, %parallel_loop3A_995, %parallel_loop3A_996, %parallel_loop3A_997], %parallel_loop3A_1000 {strides = array<i32>} : memref<1x1x64x96xf32, #tpu.memory_space<vmem>>, vector<1x1x1x16xf32>,
        } {sc.loop_unroll_factor = 8 : i64, sc.parallel_access}
        "tpu.trace_stop"() : () -> ()
        %ne3A_595 = arith.cmpi ne, %add3A_338, %add3A_392 : i32
        %ne3A_596 = arith.cmpi ne, %add3A_339, %add3A_393 : i32
        %ne3A_597 = arith.cmpi ne, %add3A_341, %add3A_395 : i32
        %or3A_598 = arith.constant false
        %or3A_599 = arith.ori %or3A_598, %ne3A_595 : i1
        %or3A_600 = arith.ori %or3A_599, %ne3A_596 : i1
        %or3A_601 = arith.ori %or3A_600, %ne3A_597 : i1
        %or3A_602 = arith.constant false
        %or3A_603 = arith.ori %or3A_601, %or3A_602 : i1
        %or3A_604 = arith.ori %or3A_603, %eq3A_336 : i1
        %convert_element_type3A_605 = arith.extui %or3A_604 : i1 to i32
        %cond3A_606 = arith.constant 0 : i32
        %cond3A_607 = arith.cmpi ne, %convert_element_type3A_605, %cond3A_606 : i32
        scf.if %cond3A_607 {
        } else {
        }
        %and3A_608 = arith.constant false
        %and3A_609 = arith.andi %or3A_604, %and3A_608 : i1
        %ne3A_610 = arith.cmpi ne, %add3A_339, %add3A_393 : i32
        %or3A_611 = arith.constant false
        %or3A_612 = arith.ori %or3A_611, %ne3A_610 : i1
        %or3A_613 = arith.constant false
        %or3A_614 = arith.ori %or3A_612, %or3A_613 : i1
        %or3A_615 = arith.ori %or3A_614, %eq3A_336 : i1
        %convert_element_type3A_616 = arith.extui %or3A_615 : i1 to i32
        %cond3A_617 = arith.constant 0 : i32
        %cond3A_618 = arith.cmpi ne, %convert_element_type3A_616, %cond3A_617 : i32
        scf.if %cond3A_618 {
        } else {
        }
        %and3A_619 = arith.constant false
        %and3A_620 = arith.andi %or3A_615, %and3A_619 : i1
        %ne3A_621 = arith.cmpi ne, %add3A_341, %add3A_395 : i32
        %or3A_622 = arith.constant false
        %or3A_623 = arith.ori %or3A_622, %ne3A_621 : i1
        %or3A_624 = arith.constant false
        %or3A_625 = arith.ori %or3A_623, %or3A_624 : i1
        %or3A_626 = arith.ori %or3A_625, %eq3A_336 : i1
        %convert_element_type3A_627 = arith.extui %or3A_626 : i1 to i32
        %cond3A_628 = arith.constant 0 : i32
        %cond3A_629 = arith.cmpi ne, %convert_element_type3A_627, %cond3A_628 : i32
        scf.if %cond3A_629 {
        } else {
        }
        %and3A_630 = arith.constant false
        %and3A_631 = arith.andi %or3A_626, %and3A_630 : i1
        %ne3A_632 = arith.cmpi ne, %add3A_338, %add3A_392 : i32
        %ne3A_633 = arith.cmpi ne, %add3A_339, %add3A_393 : i32
        %ne3A_634 = arith.cmpi ne, %add3A_341, %add3A_395 : i32
        %or3A_635 = arith.constant false
        %or3A_636 = arith.ori %or3A_635, %ne3A_632 : i1
        %or3A_637 = arith.ori %or3A_636, %ne3A_633 : i1
        %or3A_638 = arith.ori %or3A_637, %ne3A_634 : i1
        %or3A_639 = arith.constant false
        %or3A_640 = arith.ori %or3A_638, %or3A_639 : i1
        %or3A_641 = arith.ori %or3A_640, %eq3A_336 : i1
        %convert_element_type3A_642 = arith.extui %or3A_641 : i1 to i32
        %cond3A_643 = arith.constant 0 : i32
        %cond3A_644 = arith.cmpi ne, %convert_element_type3A_642, %cond3A_643 : i32
        scf.if %cond3A_644 {
          "tpu.trace_start"() <{level = 10 : i32, message = "ep_copy_out"}> : () -> ()
          %rem3A_766 = arith.constant 2 : i32
          %rem3A_767 = arith.remui %scan3A_328, %rem3A_766 : i32
          %mul3A_768 = arith.constant 1 : i32
          %mul3A_769 = arith.muli %mul3A_768, %add3A_338 : i32
          %mul3A_770 = arith.constant 1 : i32
          %mul3A_771 = arith.muli %mul3A_770, %add3A_339 : i32
          %mul3A_772 = arith.constant 64 : i32
          %mul3A_773 = arith.muli %mul3A_772, %add3A_341 : i32
          %dma_start3A_774 = arith.constant 0 : i32
          %dma_start3A_775 = arith.constant 0 : i32
          %dma_start3A_776 = arith.constant 0 : i32
          %dma_start3A_777 = arith.constant 0 : i32
          %dma_start3A_778 = tpu.memref_slice %run_scoped3A_12[%rem3A_767, %dma_start3A_774, %dma_start3A_775, %dma_start3A_776, %dma_start3A_777] : memref<2x1x1x64x96xf32, #tpu.memory_space<vmem>> -> memref<1x1x1x64x96xf32, #tpu.memory_space<vmem>>
          %dma_start3A_779 = tpu.memref_squeeze %dma_start3A_778 : memref<1x1x1x64x96xf32, #tpu.memory_space<vmem>> -> memref<1x1x64x96xf32, #tpu.memory_space<vmem>>
          %dma_start3A_780 = arith.constant 0 : i32
          %dma_start3A_781 = tpu.memref_slice %arg5[%mul3A_769, %mul3A_771, %mul3A_773, %dma_start3A_780] : memref<8x512x512x96xf32, #tpu.memory_space<hbm>> -> memref<1x1x64x96xf32, #tpu.memory_space<hbm>>
          %dma_start3A_782 = tpu.memref_slice %run_scoped3A_13[%rem3A_767] : memref<2x!tpu.dma_semaphore, #tpu.memory_space<semaphore_mem>> -> memref<1x!tpu.dma_semaphore, #tpu.memory_space<semaphore_mem>>
          %dma_start3A_783 = tpu.memref_squeeze %dma_start3A_782 : memref<1x!tpu.dma_semaphore, #tpu.memory_space<semaphore_mem>> -> memref<!tpu.dma_semaphore, #tpu.memory_space<semaphore_mem>>
          %dma_start3A_784 = arith.constant 0 : i32
          %dma_start3A_785 = tpu.memref_slice %arg5[%mul3A_769, %mul3A_771, %mul3A_773, %dma_start3A_784] : memref<8x512x512x96xf32, #tpu.memory_space<hbm>> -> memref<1x1x64x96xf32, #tpu.memory_space<hbm>>
          %dma_start3A_786 = arith.constant 0 : i32
          %dma_start3A_787 = arith.constant 0 : i32
          %dma_start3A_788 = arith.constant 0 : i32
          %dma_start3A_789 = arith.constant 0 : i32
          %dma_start3A_790 = tpu.memref_slice %run_scoped3A_12[%rem3A_767, %dma_start3A_786, %dma_start3A_787, %dma_start3A_788, %dma_start3A_789] : memref<2x1x1x64x96xf32, #tpu.memory_space<vmem>> -> memref<1x1x1x64x96xf32, #tpu.memory_space<vmem>>
          %dma_start3A_791 = tpu.memref_squeeze %dma_start3A_790 : memref<1x1x1x64x96xf32, #tpu.memory_space<vmem>> -> memref<1x1x64x96xf32, #tpu.memory_space<vmem>>
          tpu.enqueue_dma source(%dma_start3A_791 : memref<1x1x64x96xf32, #tpu.memory_space<vmem>>) target(%dma_start3A_785 : memref<1x1x64x96xf32, #tpu.memory_space<hbm>>) target_semaphore(%dma_start3A_783 : memref<!tpu.dma_semaphore, #tpu.memory_space<semaphore_mem>>)
          "tpu.trace_stop"() : () -> ()
        } else {
        }
        %and3A_645 = arith.constant true
        %and3A_646 = arith.andi %or3A_641, %and3A_645 : i1
        %add3A_647 = arith.constant 1 : i32
        %add3A_648 = arith.addi %scan3A_328, %add3A_647 : i32
        %select_n3A_649 = arith.select %and3A_646, %add3A_648, %scan3A_328 : i32
        %ne3A_650 = arith.cmpi ne, %add3A_338, %add3A_365 : i32
        %ne3A_651 = arith.cmpi ne, %add3A_339, %add3A_366 : i32
        %ne3A_652 = arith.cmpi ne, %add3A_341, %add3A_368 : i32
        %or3A_653 = arith.constant false
        %or3A_654 = arith.ori %or3A_653, %ne3A_650 : i1
        %or3A_655 = arith.ori %or3A_654, %ne3A_651 : i1
        %or3A_656 = arith.ori %or3A_655, %ne3A_652 : i1
        %or3A_657 = arith.constant false
        %or3A_658 = arith.ori %or3A_656, %or3A_657 : i1
        %not3A_659 = arith.constant true
        %not3A_660 = arith.xori %eq3A_334, %not3A_659 : i1
        %and3A_661 = arith.andi %or3A_658, %not3A_660 : i1
        %convert_element_type3A_662 = arith.extui %and3A_661 : i1 to i32
        %cond3A_663 = arith.constant 0 : i32
        %cond3A_664 = arith.cmpi ne, %convert_element_type3A_662, %cond3A_663 : i32
        scf.if %cond3A_664 {
        } else {
        }
        %and3A_665 = arith.constant false
        %and3A_666 = arith.andi %and3A_661, %and3A_665 : i1
        %ne3A_667 = arith.cmpi ne, %add3A_339, %add3A_366 : i32
        %or3A_668 = arith.constant false
        %or3A_669 = arith.ori %or3A_668, %ne3A_667 : i1
        %or3A_670 = arith.constant false
        %or3A_671 = arith.ori %or3A_669, %or3A_670 : i1
        %not3A_672 = arith.constant true
        %not3A_673 = arith.xori %eq3A_334, %not3A_672 : i1
        %and3A_674 = arith.andi %or3A_671, %not3A_673 : i1
        %convert_element_type3A_675 = arith.extui %and3A_674 : i1 to i32
        %cond3A_676 = arith.constant 0 : i32
        %cond3A_677 = arith.cmpi ne, %convert_element_type3A_675, %cond3A_676 : i32
        scf.if %cond3A_677 {
        } else {
        }
        %and3A_678 = arith.constant false
        %and3A_679 = arith.andi %and3A_674, %and3A_678 : i1
        %ne3A_680 = arith.cmpi ne, %add3A_341, %add3A_368 : i32
        %or3A_681 = arith.constant false
        %or3A_682 = arith.ori %or3A_681, %ne3A_680 : i1
        %or3A_683 = arith.constant false
        %or3A_684 = arith.ori %or3A_682, %or3A_683 : i1
        %not3A_685 = arith.constant true
        %not3A_686 = arith.xori %eq3A_334, %not3A_685 : i1
        %and3A_687 = arith.andi %or3A_684, %not3A_686 : i1
        %convert_element_type3A_688 = arith.extui %and3A_687 : i1 to i32
        %cond3A_689 = arith.constant 0 : i32
        %cond3A_690 = arith.cmpi ne, %convert_element_type3A_688, %cond3A_689 : i32
        scf.if %cond3A_690 {
        } else {
        }
        %and3A_691 = arith.constant false
        %and3A_692 = arith.andi %and3A_687, %and3A_691 : i1
        %ne3A_693 = arith.cmpi ne, %add3A_338, %add3A_365 : i32
        %ne3A_694 = arith.cmpi ne, %add3A_339, %add3A_366 : i32
        %ne3A_695 = arith.cmpi ne, %add3A_341, %add3A_368 : i32
        %or3A_696 = arith.constant false
        %or3A_697 = arith.ori %or3A_696, %ne3A_693 : i1
        %or3A_698 = arith.ori %or3A_697, %ne3A_694 : i1
        %or3A_699 = arith.ori %or3A_698, %ne3A_695 : i1
        %or3A_700 = arith.constant false
        %or3A_701 = arith.ori %or3A_699, %or3A_700 : i1
        %not3A_702 = arith.constant true
        %not3A_703 = arith.xori %eq3A_334, %not3A_702 : i1
        %and3A_704 = arith.andi %or3A_701, %not3A_703 : i1
        %convert_element_type3A_705 = arith.extui %and3A_704 : i1 to i32
        %cond3A_706 = arith.constant 0 : i32
        %cond3A_707 = arith.cmpi ne, %convert_element_type3A_705, %cond3A_706 : i32
        scf.if %cond3A_707 {
          "tpu.trace_start"() <{level = 10 : i32, message = "ep_wait_out"}> : () -> ()
          %rem3A_766 = arith.constant 2 : i32
          %rem3A_767 = arith.remui %scan3A_329, %rem3A_766 : i32
          %mul3A_768 = arith.constant 1 : i32
          %mul3A_769 = arith.muli %mul3A_768, %add3A_365 : i32
          %mul3A_770 = arith.constant 1 : i32
          %mul3A_771 = arith.muli %mul3A_770, %add3A_366 : i32
          %mul3A_772 = arith.constant 64 : i32
          %mul3A_773 = arith.muli %mul3A_772, %add3A_368 : i32
          %dma_wait3A_774 = arith.constant 0 : i32
          %dma_wait3A_775 = arith.constant 0 : i32
          %dma_wait3A_776 = arith.constant 0 : i32
          %dma_wait3A_777 = arith.constant 0 : i32
          %dma_wait3A_778 = tpu.memref_slice %run_scoped3A_12[%rem3A_767, %dma_wait3A_774, %dma_wait3A_775, %dma_wait3A_776, %dma_wait3A_777] : memref<2x1x1x64x96xf32, #tpu.memory_space<vmem>> -> memref<1x1x1x64x96xf32, #tpu.memory_space<vmem>>
          %dma_wait3A_779 = tpu.memref_squeeze %dma_wait3A_778 : memref<1x1x1x64x96xf32, #tpu.memory_space<vmem>> -> memref<1x1x64x96xf32, #tpu.memory_space<vmem>>
          %dma_wait3A_780 = arith.constant 0 : i32
          %dma_wait3A_781 = tpu.memref_slice %arg5[%mul3A_769, %mul3A_771, %mul3A_773, %dma_wait3A_780] : memref<8x512x512x96xf32, #tpu.memory_space<hbm>> -> memref<1x1x64x96xf32, #tpu.memory_space<hbm>>
          %dma_wait3A_782 = tpu.memref_slice %run_scoped3A_13[%rem3A_767] : memref<2x!tpu.dma_semaphore, #tpu.memory_space<semaphore_mem>> -> memref<1x!tpu.dma_semaphore, #tpu.memory_space<semaphore_mem>>
          %dma_wait3A_783 = tpu.memref_squeeze %dma_wait3A_782 : memref<1x!tpu.dma_semaphore, #tpu.memory_space<semaphore_mem>> -> memref<!tpu.dma_semaphore, #tpu.memory_space<semaphore_mem>>
          %dma_wait3A_784 = arith.constant 0 : i32
          %dma_wait3A_785 = tpu.memref_slice %arg5[%mul3A_769, %mul3A_771, %mul3A_773, %dma_wait3A_784] : memref<8x512x512x96xf32, #tpu.memory_space<hbm>> -> memref<1x1x64x96xf32, #tpu.memory_space<hbm>>
          %dma_wait3A_786 = arith.constant 0 : i32
          %dma_wait3A_787 = arith.constant 0 : i32
          %dma_wait3A_788 = arith.constant 0 : i32
          %dma_wait3A_789 = arith.constant 0 : i32
          %dma_wait3A_790 = tpu.memref_slice %run_scoped3A_12[%rem3A_767, %dma_wait3A_786, %dma_wait3A_787, %dma_wait3A_788, %dma_wait3A_789] : memref<2x1x1x64x96xf32, #tpu.memory_space<vmem>> -> memref<1x1x1x64x96xf32, #tpu.memory_space<vmem>>
          %dma_wait3A_791 = tpu.memref_squeeze %dma_wait3A_790 : memref<1x1x1x64x96xf32, #tpu.memory_space<vmem>> -> memref<1x1x64x96xf32, #tpu.memory_space<vmem>>
          tpu.wait_dma2 semaphore(%dma_wait3A_783 : memref<!tpu.dma_semaphore, #tpu.memory_space<semaphore_mem>>) src(%dma_wait3A_791 : memref<1x1x64x96xf32, #tpu.memory_space<vmem>>) dst(%dma_wait3A_785 : memref<1x1x64x96xf32, #tpu.memory_space<hbm>>)
          "tpu.trace_stop"() : () -> ()
        } else {
        }
        %and3A_708 = arith.constant true
        %and3A_709 = arith.andi %and3A_704, %and3A_708 : i1
        %add3A_710 = arith.constant 1 : i32
        %add3A_711 = arith.addi %scan3A_329, %add3A_710 : i32
        %select_n3A_712 = arith.select %and3A_709, %add3A_711, %scan3A_329 : i32
        %ne3A_713 = arith.cmpi ne, %add3A_338, %add3A_392 : i32
        %ne3A_714 = arith.cmpi ne, %add3A_339, %add3A_393 : i32
        %ne3A_715 = arith.cmpi ne, %add3A_341, %add3A_395 : i32
        %or3A_716 = arith.constant false
        %or3A_717 = arith.ori %or3A_716, %ne3A_713 : i1
        %or3A_718 = arith.ori %or3A_717, %ne3A_714 : i1
        %or3A_719 = arith.ori %or3A_718, %ne3A_715 : i1
        %or3A_720 = arith.constant false
        %or3A_721 = arith.ori %or3A_719, %or3A_720 : i1
        %or3A_722 = arith.ori %or3A_721, %eq3A_336 : i1
        %add3A_723 = arith.constant 1 : i32
        %add3A_724 = arith.addi %scan3A_323, %add3A_723 : i32
        %select_n3A_725 = arith.select %or3A_722, %add3A_724, %scan3A_323 : i32
        %ne3A_726 = arith.cmpi ne, %add3A_339, %add3A_393 : i32
        %or3A_727 = arith.constant false
        %or3A_728 = arith.ori %or3A_727, %ne3A_726 : i1
        %or3A_729 = arith.constant false
        %or3A_730 = arith.ori %or3A_728, %or3A_729 : i1
        %or3A_731 = arith.ori %or3A_730, %eq3A_336 : i1
        %add3A_732 = arith.constant 1 : i32
        %add3A_733 = arith.addi %scan3A_325, %add3A_732 : i32
        %select_n3A_734 = arith.select %or3A_731, %add3A_733, %scan3A_325 : i32
        %ne3A_735 = arith.cmpi ne, %add3A_341, %add3A_395 : i32
        %or3A_736 = arith.constant false
        %or3A_737 = arith.ori %or3A_736, %ne3A_735 : i1
        %or3A_738 = arith.constant false
        %or3A_739 = arith.ori %or3A_737, %or3A_738 : i1
        %or3A_740 = arith.ori %or3A_739, %eq3A_336 : i1
        %add3A_741 = arith.constant 1 : i32
        %add3A_742 = arith.addi %scan3A_327, %add3A_741 : i32
        %select_n3A_743 = arith.select %or3A_740, %add3A_742, %scan3A_327 : i32
        %add3A_744 = arith.constant 1 : i32
        %add3A_745 = arith.addi %scan3A_332, %add3A_744 : i32
        %select_n3A_746 = arith.constant true
        %select_n3A_747 = arith.select %select_n3A_746, %add3A_745, %scan3A_332 : i32
        %eq3A_748 = arith.constant 8 : i32
        %eq3A_749 = arith.cmpi eq, %select_n3A_747, %eq3A_748 : i32
        %select_n3A_750 = arith.constant 0 : i32
        %select_n3A_751 = arith.select %eq3A_749, %select_n3A_750, %select_n3A_747 : i32
        %add3A_752 = arith.constant 1 : i32
        %add3A_753 = arith.addi %scan3A_331, %add3A_752 : i32
        %select_n3A_754 = arith.select %eq3A_749, %add3A_753, %scan3A_331 : i32
        %eq3A_755 = arith.constant 16 : i32
        %eq3A_756 = arith.cmpi eq, %select_n3A_754, %eq3A_755 : i32
        %select_n3A_757 = arith.constant 0 : i32
        %select_n3A_758 = arith.select %eq3A_756, %select_n3A_757, %select_n3A_754 : i32
        %add3A_759 = arith.constant 1 : i32
        %add3A_760 = arith.addi %scan3A_330, %add3A_759 : i32
        %select_n3A_761 = arith.select %eq3A_756, %add3A_760, %scan3A_330 : i32
        %eq3A_762 = arith.constant 8 : i32
        %eq3A_763 = arith.cmpi eq, %select_n3A_761, %eq3A_762 : i32
        %select_n3A_764 = arith.constant 0 : i32
        %select_n3A_765 = arith.select %eq3A_763, %select_n3A_764, %select_n3A_761 : i32
        scf.yield %select_n3A_437, %select_n3A_725, %select_n3A_455, %select_n3A_734, %select_n3A_473, %select_n3A_743, %select_n3A_649, %select_n3A_712, %select_n3A_765, %select_n3A_758, %select_n3A_751 : i32, i32, i32, i32, i32, i32, i32, i32, i32, i32, i32
      }
      %scan3A_188 = arith.constant 1024 : i32
      %sub3A = arith.constant 1 : i32
      %sub3A_189 = arith.subi %scan3A_187#10, %sub3A : i32
      %select_n3A_190 = arith.constant true
      %select_n3A_191 = arith.select %select_n3A_190, %sub3A_189, %scan3A_187#10 : i32
      %eq3A_192 = arith.constant -1 : i32
      %eq3A_193 = arith.cmpi eq, %select_n3A_191, %eq3A_192 : i32
      %select_n3A_194 = arith.constant 7 : i32
      %select_n3A_195 = arith.select %eq3A_193, %select_n3A_194, %select_n3A_191 : i32
      %sub3A_196 = arith.constant 1 : i32
      %sub3A_197 = arith.subi %scan3A_187#9, %sub3A_196 : i32
      %select_n3A_198 = arith.select %eq3A_193, %sub3A_197, %scan3A_187#9 : i32
      %eq3A_199 = arith.constant -1 : i32
      %eq3A_200 = arith.cmpi eq, %select_n3A_198, %eq3A_199 : i32
      %select_n3A_201 = arith.constant 15 : i32
      %select_n3A_202 = arith.select %eq3A_200, %select_n3A_201, %select_n3A_198 : i32
      %sub3A_203 = arith.constant 1 : i32
      %sub3A_204 = arith.subi %scan3A_187#8, %sub3A_203 : i32
      %select_n3A_205 = arith.select %eq3A_200, %sub3A_204, %scan3A_187#8 : i32
      %eq3A_206 = arith.constant -1 : i32
      %eq3A_207 = arith.cmpi eq, %select_n3A_205, %eq3A_206 : i32
      %select_n3A_208 = arith.constant 7 : i32
      %select_n3A_209 = arith.select %eq3A_207, %select_n3A_208, %select_n3A_205 : i32
      %add3A_210 = arith.constant 0 : i32
      %add3A_211 = arith.addi %select_n3A_209, %add3A_210 : i32
      %add3A_212 = arith.addi %select_n3A_202, %mul3A_6 : i32
      %add3A_213 = arith.constant 0 : i32
      %add3A_214 = arith.addi %select_n3A_195, %add3A_213 : i32
      %sub3A_215 = arith.constant 1 : i32
      %sub3A_216 = arith.subi %select_n3A_195, %sub3A_215 : i32
      %select_n3A_217 = arith.constant true
      %select_n3A_218 = arith.select %select_n3A_217, %sub3A_216, %select_n3A_195 : i32
      %eq3A_219 = arith.constant -1 : i32
      %eq3A_220 = arith.cmpi eq, %select_n3A_218, %eq3A_219 : i32
      %select_n3A_221 = arith.constant 7 : i32
      %select_n3A_222 = arith.select %eq3A_220, %select_n3A_221, %select_n3A_218 : i32
      %sub3A_223 = arith.constant 1 : i32
      %sub3A_224 = arith.subi %select_n3A_202, %sub3A_223 : i32
      %select_n3A_225 = arith.select %eq3A_220, %sub3A_224, %select_n3A_202 : i32
      %eq3A_226 = arith.constant -1 : i32
      %eq3A_227 = arith.cmpi eq, %select_n3A_225, %eq3A_226 : i32
      %select_n3A_228 = arith.constant 15 : i32
      %select_n3A_229 = arith.select %eq3A_227, %select_n3A_228, %select_n3A_225 : i32
      %sub3A_230 = arith.constant 1 : i32
      %sub3A_231 = arith.subi %select_n3A_209, %sub3A_230 : i32
      %select_n3A_232 = arith.select %eq3A_227, %sub3A_231, %select_n3A_209 : i32
      %eq3A_233 = arith.constant -1 : i32
      %eq3A_234 = arith.cmpi eq, %select_n3A_232, %eq3A_233 : i32
      %select_n3A_235 = arith.constant 7 : i32
      %select_n3A_236 = arith.select %eq3A_234, %select_n3A_235, %select_n3A_232 : i32
      %add3A_237 = arith.constant 0 : i32
      %add3A_238 = arith.addi %select_n3A_236, %add3A_237 : i32
      %add3A_239 = arith.addi %select_n3A_229, %mul3A_6 : i32
      %add3A_240 = arith.constant 0 : i32
      %add3A_241 = arith.addi %select_n3A_222, %add3A_240 : i32
      %add3A_242 = arith.constant 1 : i32
      %add3A_243 = arith.addi %select_n3A_195, %add3A_242 : i32
      %select_n3A_244 = arith.constant true
      %select_n3A_245 = arith.select %select_n3A_244, %add3A_243, %select_n3A_195 : i32
      %eq3A_246 = arith.constant 8 : i32
      %eq3A_247 = arith.cmpi eq, %select_n3A_245, %eq3A_246 : i32
      %select_n3A_248 = arith.constant 0 : i32
      %select_n3A_249 = arith.select %eq3A_247, %select_n3A_248, %select_n3A_245 : i32
      %add3A_250 = arith.constant 1 : i32
      %add3A_251 = arith.addi %select_n3A_202, %add3A_250 : i32
      %select_n3A_252 = arith.select %eq3A_247, %add3A_251, %select_n3A_202 : i32
      %eq3A_253 = arith.constant 16 : i32
      %eq3A_254 = arith.cmpi eq, %select_n3A_252, %eq3A_253 : i32
      %select_n3A_255 = arith.constant 0 : i32
      %select_n3A_256 = arith.select %eq3A_254, %select_n3A_255, %select_n3A_252 : i32
      %add3A_257 = arith.constant 1 : i32
      %add3A_258 = arith.addi %select_n3A_209, %add3A_257 : i32
      %select_n3A_259 = arith.select %eq3A_254, %add3A_258, %select_n3A_209 : i32
      %eq3A_260 = arith.constant 8 : i32
      %eq3A_261 = arith.cmpi eq, %select_n3A_259, %eq3A_260 : i32
      %select_n3A_262 = arith.constant 0 : i32
      %select_n3A_263 = arith.select %eq3A_261, %select_n3A_262, %select_n3A_259 : i32
      %add3A_264 = arith.constant 0 : i32
      %add3A_265 = arith.addi %select_n3A_263, %add3A_264 : i32
      %add3A_266 = arith.addi %select_n3A_256, %mul3A_6 : i32
      %add3A_267 = arith.constant 0 : i32
      %add3A_268 = arith.addi %select_n3A_249, %add3A_267 : i32
      %add3A_269 = arith.constant 1 : i32
      %add3A_270 = arith.addi %select_n3A_249, %add3A_269 : i32
      %select_n3A_271 = arith.constant true
      %select_n3A_272 = arith.select %select_n3A_271, %add3A_270, %select_n3A_249 : i32
      %eq3A_273 = arith.constant 8 : i32
      %eq3A_274 = arith.cmpi eq, %select_n3A_272, %eq3A_273 : i32
      %select_n3A_275 = arith.constant 0 : i32
      %select_n3A_276 = arith.select %eq3A_274, %select_n3A_275, %select_n3A_272 : i32
      %add3A_277 = arith.constant 1 : i32
      %add3A_278 = arith.addi %select_n3A_256, %add3A_277 : i32
      %select_n3A_279 = arith.select %eq3A_274, %add3A_278, %select_n3A_256 : i32
      %eq3A_280 = arith.constant 16 : i32
      %eq3A_281 = arith.cmpi eq, %select_n3A_279, %eq3A_280 : i32
      %select_n3A_282 = arith.constant 0 : i32
      %select_n3A_283 = arith.select %eq3A_281, %select_n3A_282, %select_n3A_279 : i32
      %add3A_284 = arith.constant 1 : i32
      %add3A_285 = arith.addi %select_n3A_263, %add3A_284 : i32
      %select_n3A_286 = arith.select %eq3A_281, %add3A_285, %select_n3A_263 : i32
      %eq3A_287 = arith.constant 8 : i32
      %eq3A_288 = arith.cmpi eq, %select_n3A_286, %eq3A_287 : i32
      %select_n3A_289 = arith.constant 0 : i32
      %select_n3A_290 = arith.select %eq3A_288, %select_n3A_289, %select_n3A_286 : i32
      %add3A_291 = arith.constant 0 : i32
      %add3A_292 = arith.addi %select_n3A_290, %add3A_291 : i32
      %add3A_293 = arith.addi %select_n3A_283, %mul3A_6 : i32
      %add3A_294 = arith.constant 0 : i32
      %add3A_295 = arith.addi %select_n3A_276, %add3A_294 : i32
      "tpu.trace_start"() <{level = 10 : i32, message = "ep_finalize"}> : () -> ()
      %rem3A_296 = arith.constant 2 : i32
      %rem3A_297 = arith.remui %scan3A_187#7, %rem3A_296 : i32
      %mul3A_298 = arith.constant 1 : i32
      %mul3A_299 = arith.muli %mul3A_298, %add3A_211 : i32
      %mul3A_300 = arith.constant 1 : i32
      %mul3A_301 = arith.muli %mul3A_300, %add3A_212 : i32
      %mul3A_302 = arith.constant 64 : i32
      %mul3A_303 = arith.muli %mul3A_302, %add3A_214 : i32
      %dma_wait3A = arith.constant 0 : i32
      %dma_wait3A_304 = arith.constant 0 : i32
      %dma_wait3A_305 = arith.constant 0 : i32
      %dma_wait3A_306 = arith.constant 0 : i32
      %dma_wait3A_307 = tpu.memref_slice %run_scoped3A_12[%rem3A_297, %dma_wait3A, %dma_wait3A_304, %dma_wait3A_305, %dma_wait3A_306] : memref<2x1x1x64x96xf32, #tpu.memory_space<vmem>> -> memref<1x1x1x64x96xf32, #tpu.memory_space<vmem>>
      %dma_wait3A_308 = tpu.memref_squeeze %dma_wait3A_307 : memref<1x1x1x64x96xf32, #tpu.memory_space<vmem>> -> memref<1x1x64x96xf32, #tpu.memory_space<vmem>>
      %dma_wait3A_309 = arith.constant 0 : i32
      %dma_wait3A_310 = tpu.memref_slice %arg5[%mul3A_299, %mul3A_301, %mul3A_303, %dma_wait3A_309] : memref<8x512x512x96xf32, #tpu.memory_space<hbm>> -> memref<1x1x64x96xf32, #tpu.memory_space<hbm>>
      %dma_wait3A_311 = tpu.memref_slice %run_scoped3A_13[%rem3A_297] : memref<2x!tpu.dma_semaphore, #tpu.memory_space<semaphore_mem>> -> memref<1x!tpu.dma_semaphore, #tpu.memory_space<semaphore_mem>>
      %dma_wait3A_312 = tpu.memref_squeeze %dma_wait3A_311 : memref<1x!tpu.dma_semaphore, #tpu.memory_space<semaphore_mem>> -> memref<!tpu.dma_semaphore, #tpu.memory_space<semaphore_mem>>
      %dma_wait3A_313 = arith.constant 0 : i32
      %dma_wait3A_314 = tpu.memref_slice %arg5[%mul3A_299, %mul3A_301, %mul3A_303, %dma_wait3A_313] : memref<8x512x512x96xf32, #tpu.memory_space<hbm>> -> memref<1x1x64x96xf32, #tpu.memory_space<hbm>>
      %dma_wait3A_315 = arith.constant 0 : i32
      %dma_wait3A_316 = arith.constant 0 : i32
      %dma_wait3A_317 = arith.constant 0 : i32
      %dma_wait3A_318 = arith.constant 0 : i32
      %dma_wait3A_319 = tpu.memref_slice %run_scoped3A_12[%rem3A_297, %dma_wait3A_315, %dma_wait3A_316, %dma_wait3A_317, %dma_wait3A_318] : memref<2x1x1x64x96xf32, #tpu.memory_space<vmem>> -> memref<1x1x1x64x96xf32, #tpu.memory_space<vmem>>
      %dma_wait3A_320 = tpu.memref_squeeze %dma_wait3A_319 : memref<1x1x1x64x96xf32, #tpu.memory_space<vmem>> -> memref<1x1x64x96xf32, #tpu.memory_space<vmem>>
      tpu.wait_dma2 semaphore(%dma_wait3A_312 : memref<!tpu.dma_semaphore, #tpu.memory_space<semaphore_mem>>) src(%dma_wait3A_320 : memref<1x1x64x96xf32, #tpu.memory_space<vmem>>) dst(%dma_wait3A_314 : memref<1x1x64x96xf32, #tpu.memory_space<hbm>>)
      "tpu.trace_stop"() : () -> ()
      tpu.yield
    }) : () -> ()
    return
  }
}

</mosaic_0001>

<sc_bundles>
// kernel: kernel.3.cloned.1.call-start
scs
__scs_entry_jumppad:
0x0: {  	(pc) =	sbr.rel $0x88, $3  }
0x1: {  	(tag) =	ssettag $0x0;
	lr =	simm.s32 $0x1  }
0x2: {  	[smem:$0x3F9E] =	sst lr;
	_ =	strace $0xD0000000  }
0x3: {  	_ = 	snop  }
0x4: {  	_ = 	snop  }
0x5: {  	_ = 	snop  }
0x6: {  	_ = 	snop  }
0x7: {  	_ = 	snop  }
__scs_overlays_trampoline_lowered:
0x8: {  	[smem:$0x3FAD] =	sst s0  }
0x9: {  	[smem:$0x3FAE] =	sst s1  }
0xa: {  	[smem:$0x3FAF] =	sst s2  }
0xb: {  	[smem:$0x3FB0] =	sst s3  }
0xc: {  	[smem:$0x3FB1] =	sst s4  }
0xd: {  	[smem:$0x3FB2] =	sst s5  }
0xe: {  	[smem:$0x3FB3] =	sst s6  }
0xf: {  	[smem:$0x3FB4] =	sst s7  }
0x10: {  	[smem:$0x3FB5] =	sst s8  }
0x11: {  	[smem:$0x3FB6] =	sst s9;
	s0 =	simm.s32 @!p0 $0x0  }
0x12: {  	s1 =	sld [smem:$0x3F9C];
	s0 =	simm.s32 @p0 $0x1  }
0x13: {  	[smem:$0x3FB7] =	sst s0;
	s0 =	simm.s32 @!p1 $0x0  }
0x14: {  	s2 =	sld [smem:$0x3F9B];
	s0 =	simm.s32 @p1 $0x1  }
0x15: {  	[smem:$0x3FB8] =	sst s0;
	s0 =	simm.s32 @!p2 $0x0  }
0x16: {  	s3 =	sld [smem:$0x3FDB];
	s0 =	simm.s32 @p2 $0x1  }
0x17: {  	s4 =	simm.s32 $0x1BF5;
	[smem:$0x3FBA] =	sst s0  }
0x18: {  	s0 =	sld [smem:$0x3F9D];
	_ =	swait.ge [sflag:s4], $0x0  }
0x19: {  	s7 =	sld [smem:$0x3F9E]  }
0x1a: {  	s8 =	sadd.s32 $0xFFFFE003, lr  }
0x1b: {  	s9 =	sadd.s32 $0xFFFFFEF7, lr;
	s5 =	simm.s32 $0xFFFFFFFF;
	p2 =	slt.u32 s8, $0xFFFFF086  }
0x1c: {  	p1 =	slt.u32 s9, $0xF7A;
	s5 =	simm.s32 @!p2 $0x0  }
0x1d: {  	s5 =	simm.s32 @p1 $0x1;
	p0 =	seq.s32 s7, s2  }
0x1e: {  	s7 =	smul.u32 @!p0 $0xF7A, s2;
	p2 =	seq.s32 @!p0 s5, $0x0  }
0x1f: {  	s9 =	smul.u32 $0xF7A, s1;
	s8 =	simm.s32 @!p0 $0x1BF5;
	p2 =	por !p2, p0  }
0x20: {  	[sflag:s8] =	ssyncset.s32 @!p0 $0xFFFFF086;
	s6 =	sadd.s32 @!p0 s3, s7;
	s7 =	simm.s32 @!p0 $0x108  }
0x21: {  	s3 =	sadd.s32 s3, s9;
	s6 =	sadd.s32 @!p0 $0x88, s6;
	s7 =	simm.s32 @p2 $0x1082  }
0x22: {  	[simem:s7], [sflag:s8] =	dma.local @!p0 [hbm:s6], $0xF7A  }
0x23: {  	s9 =	sor.u32 $0xD0000000, s2;
	s6 =	simm.s32 $0x108;
	_ =	swait.ge @!p0 [sflag:s8], $0x0  }
0x24: {  	s3 =	sadd.s32 $0x88, s3;
	s6 =	simm.s32 @!p1 $0x1082;
	[sflag:s4] =	ssyncset.s32 $0xFFFFF086  }
0x25: {  	[simem:s6], [sflag:s4] =	dma.local [hbm:s3], $0xF7A  }
0x26: {  	[smem:$0x3F9E] =	sst s1;
	(tag) =	ssettag s2;
	_ =	strace s9  }
0x27: {  	s1 =	sld [smem:$0x3FAE]  }
0x28: {  	s2 =	sld [smem:$0x3FAF]  }
0x29: {  	s4 =	sld [smem:$0x3FB1]  }
0x2a: {  	p0 =	seq.s32 s5, $0x0;
	s5 =	sld [smem:$0x3FB2]  }
0x2b: {  	s6 =	sld [smem:$0x3FB3]  }
0x2c: {  	s7 =	sld [smem:$0x3FB4]  }
0x2d: {  	s3 =	simm.s32 $0x108;
	s8 =	sld [smem:$0x3FB5]  }
0x2e: {  	s3 =	simm.s32 @!p0 $0x1082;
	s9 =	sld [smem:$0x3FB6]  }
0x2f: {  	lr =	sadd.s32 s0, s3;
	s0 =	sld [smem:$0x3FAD]  }
0x30: {  	s3 =	sld [smem:$0x3FB0]  }
0x31: {  	[smem:$0x3FB9] =	sst s10  }
0x32: {  	s10 =	sld [smem:$0x3FB7];
	_ =	sdelay $0x3  }
0x33: {  	p0 =	seq.s32 s10, $0x1;
	s10 =	sld [smem:$0x3FB9];
	_ =	sdelay $0x3  }
0x34: {  	[smem:$0x3FB9] =	sst s10  }
0x35: {  	s10 =	sld [smem:$0x3FB8];
	_ =	sdelay $0x3  }
0x36: {  	p1 =	seq.s32 s10, $0x1;
	s10 =	sld [smem:$0x3FB9];
	_ =	sdelay $0x3  }
0x37: {  	[smem:$0x3FB9] =	sst s10  }
0x38: {  	s10 =	sld [smem:$0x3FBA]  }
0x39: {  	_ = 	snop;
	(pc) =	sbr.ind lr, $3  }
0x3a: {  	_ = 	snop  }
0x3b: {  	_ = 	snop  }
0x3c: {  	p2 =	seq.s32 s10, $0x1;
	s10 =	sld [smem:$0x3FB9]  }
0x3d: {  	_ =	shalt  }
0x3e: {  	_ =	shalt  }
0x3f: {  	_ =	shalt  }
0x40: {  	_ =	shalt  }
0x41: {  	_ =	shalt  }
0x42: {  	_ =	shalt  }
0x43: {  	_ =	shalt  }
0x44: {  	_ =	shalt  }
0x45: {  	_ =	shalt  }
0x46: {  	_ =	shalt  }
0x47: {  	_ =	shalt  }
0x48: {  	_ =	shalt  }
0x49: {  	_ =	shalt  }
0x4a: {  	_ =	shalt  }
0x4b: {  	_ =	shalt  }
0x4c: {  	_ =	shalt  }
0x4d: {  	_ =	shalt  }
0x4e: {  	_ =	shalt  }
0x4f: {  	_ =	shalt  }
0x50: {  	_ =	shalt  }
0x51: {  	_ =	shalt  }
0x52: {  	_ =	shalt  }
0x53: {  	_ =	shalt  }
0x54: {  	_ =	shalt  }
0x55: {  	_ =	shalt  }
0x56: {  	_ =	shalt  }
0x57: {  	_ =	shalt  }
0x58: {  	_ =	shalt  }
0x59: {  	_ =	shalt  }
0x5a: {  	_ =	shalt  }
0x5b: {  	_ =	shalt  }
0x5c: {  	_ =	shalt  }
0x5d: {  	_ =	shalt  }
0x5e: {  	_ =	shalt  }
0x5f: {  	_ =	shalt  }
0x60: {  	_ =	shalt  }
0x61: {  	_ =	shalt  }
0x62: {  	_ =	shalt  }
0x63: {  	_ =	shalt  }
0x64: {  	_ =	shalt  }
0x65: {  	_ =	shalt  }
0x66: {  	_ =	shalt  }
0x67: {  	_ =	shalt  }
0x68: {  	_ =	shalt  }
0x69: {  	_ =	shalt  }
0x6a: {  	_ =	shalt  }
0x6b: {  	_ =	shalt  }
0x6c: {  	_ =	shalt  }
0x6d: {  	_ =	shalt  }
0x6e: {  	_ =	shalt  }
0x6f: {  	_ =	shalt  }
0x70: {  	_ =	shalt  }
0x71: {  	_ =	shalt  }
0x72: {  	_ =	shalt  }
0x73: {  	_ =	shalt  }
0x74: {  	_ =	shalt  }
0x75: {  	_ =	shalt  }
0x76: {  	_ =	shalt  }
0x77: {  	_ =	shalt  }
0x78: {  	_ =	shalt  }
0x79: {  	_ =	shalt  }
0x7a: {  	_ =	shalt  }
0x7b: {  	_ =	shalt  }
0x7c: {  	_ =	shalt  }
0x7d: {  	_ =	shalt  }
0x7e: {  	_ =	shalt  }
0x7f: {  	_ =	shalt  }
0x80: {  	_ =	shalt  }
0x81: {  	_ =	shalt  }
0x82: {  	_ =	shalt  }
0x83: {  	_ =	shalt  }
0x84: {  	_ =	shalt  }
0x85: {  	_ =	shalt  }
0x86: {  	_ =	shalt  }
0x87: {  	_ =	shalt  }
.Lfunc_end0:
.L_simem_size_0:
called_computation_lowered:
.L_overlay_start_0:
0x88: {  	s2 =	sld [smem:$0x3FD9]  }
0x89: {  	s3 =	sld [smem:$0x3FFE];
	_ =	sdelay $0x1  }
0x8a: {  	s1 =	srdreg.scid  }
0x8b: {  	s0 =	sand.u32 $0x1, s1  }
0x8c: {  	s17 =	sshll.u32 s0, $0xA;
	s2 =	sadd.s32 s3, s2  }
0x8d: {  	s2 =	sadd.s32 s2, s17  }
0x8e: {  	[smem:$0x3FC5] =	sst s2  }
0x8f: {  	_ = 	snop  }
0x90: {  	s2 =	sld [smem:$0x3FD0];
	(tm) =	ssettm $0x1  }
0x91: {  	s18 =	sld [smem:$0x3FFB];
	_ =	sdelay $0x3  }
0x92: {  	_ =	strace s18  }
0x93: {  	s3 =	sld [smem:$0x3FFC];
	_ =	sdelay $0x3  }
0x94: {  	_ =	strace s3  }
0x95: {  	s3 =	sld [smem:$0x3FFD];
	_ =	sdelay $0x3  }
0x96: {  	_ =	strace s3  }
0x97: {  	_ =	strace $0x8FFFFFFF  }
0x98: {  	s19 =	sld [smem:$0x3FDB];
	_ =	sdelay $0x1  }
0x99: {  	s4 =	simm.s32 $_scs_section_size  }
0x9a: {  	s5 =	simm.s32 $_size__tile_overlayer_lowered;
	s6 =	simm.s32 $_tile_overlayer_lowered  }
0x9b: {  	s22 =	simm.s32 $0x1BFF;
	s21 =	sshll.u32 s6, $0x1;
	s3 =	sadd.s32 s4, s19  }
0x9c: {  	s7 =	simm.s32 $0x0;
	s20 =	sshll.u32 s5, $0x1;
	s5 =	sadd.s32 s21, s3  }
0x9d: {  	[timem:s7], [sflag:s22] =	dma.local [hbm:s5], s20  }
0x9e: {  	_ =	swait.ge [sflag:s22], s20  }
0x9f: {  	s4 =	ssub.s32 $0x0, s20;
	[sflag:s22] =	ssyncset.done $0x0  }
0xa0: {  	[sflag:s22] =	ssyncadd.s32 s4;
	_ =	sdelay $0x1  }
0xa1: {  	s23 =	simm.s32 $0x1B8B  }
0xa2: {  	_ =	swait.ge [sflag:s23], $0x1  }
0xa3: {  	[sflag:s23] =	ssyncset.done $0x0  }
0xa4: {  	s25 =	simm.s32 $0x1B8E;
	s24 =	sld [smem:$0x3FFE];
	[sflag:s23] =	ssyncadd.s32 $0xFFFFFFFF  }
0xa5: {  	s26 =	simm.s32 $execute0_lowered;
	[smem:$0x3FD2] =	sst s25  }
0xa6: {  	s5 =	sshll.u32 s26, $0x1;
	_ =	strace $0x80000046;
	[dreg:$0x1] =	wrdreg $0xFFFFFFFF  }
0xa7: {  	s28 =	simm.s32 $_size_execute0_lowered;
	s3 =	sadd.s32 s3, s5;
	[dreg:$0x0] =	wrdreg $0x0  }
0xa8: {  	s5 =	sshll.u32 s28, $0x1;
	[dreg:$0x2] =	wrdreg s3  }
0xa9: {  	[dreg:$0x3] =	wrdreg s5  }
0xaa: {  	[dreg:$0x4] =	wrdreg $0xC0  }
0xab: {  	_ =	task [dreg:s7], $0x5FFFF  }
0xac: {  	[dreg:$0x1] =	wrdreg $0xFFFFFFFF  }
0xad: {  	[dreg:$0x0] =	wrdreg $0x60  }
0xae: {  	[dreg:$0x2] =	wrdreg s24  }
0xaf: {  	[dreg:$0x3] =	wrdreg s2  }
0xb0: {  	[dreg:$0x4] =	wrdreg $0x9  }
0xb1: {  	_ =	task.clear_ibuf [dreg:s7], $0x5FFFF;
	_ =	strace $0x90000046  }
0xb2: {  	s29 =	simm.s32 $0x9;
	_ =	strace $0x80000053  }
0xb3: {  	_ =	swait.ge [sflag:s29], $0x1  }
0xb4: {  	[sflag:s29] =	ssyncadd.s32 $0xFFFFFFFF  }
0xb5: {  	_ =	strace $0x90000053  }
0xb6: {  	_ =	sfence  }
0xb7: {  	s30 =	sld [smem:$0x0];
	_ =	sdelay $0x2  }
0xb8: {  	s31 =	sshll.u32 s1, $0xD;
	s1 =	sshrl.u32 s1, $0x2  }
0xb9: {  	s3 =	sand.u32 $0x4000, s31;
	s1 =	sadd.s32 s1, s30  }
0xba: {  	s0 =	sor.u32 s3, s0;
	s1 =	sshll.u32 s1, $0x11  }
0xbb: {  	s0 =	sor.u32 s1, s0  }
0xbc: {  	s0 =	sadd.s32 $0x8F2B, s0  }
0xbd: {  	[sflag:s0] =	ssyncadd.remote.s32 $0x1  }
0xbe: {  	_ =	sfence.sel $0xFFFF  }
0xbf: {  	[dreg:$0x0] =	wrdreg $0xFFFFFFFF;
	(pc) =	sbr.abs _section_cstart, $3  }
0xc0: {  	[dreg:$0x1] =	wrdreg $0xFFFFFFFF  }
0xc1: {  	_ =	task.clear_ibuf [dreg:s7], $0x2FFFF;
	_ =	strace $0x9FFFFFFF  }
0xc2: {  	(tm) =	ssettm $0x7FFFFFFF  }
0xc3: {  	_ =	shalt  }
tec
execute0_lowered:
.L_overlay_start_1:
0x0: {  	(tag) =	ssettag $0x1  }
0x1: {  	s0 =	rddreg [dreg:$0x0]  }
0x2: {  	s1 =	rddreg [dreg:$0x1];
	s2 =	simm.s32 $0x0;
	s3 =	srdreg.scid  }
0x3: {  	s6 =	stileid.u32;
	[smem:$0x7FF] =	sst s2;
	s3 =	sand.u32 $0x1, s3  }
0x4: {  	s7 =	sshll.u32 s6, $0x4;
	s8 =	ssub.s32 $0x2, s3;
	s3 =	sshll.u32 s3, $0x8  }
0x5: {  	s4 =	sadd.s32 $0x2400, s0;
	s6 =	sadd.s32 $0x2002400, s0;
	s7 =	sor.u32 s7, s3  }
0x6: {  	s5 =	sadd.s32 $0x400, s0;
	_ =	strace $0x80000047;
	s3 =	sshll.u32 s7, $0xD  }
0x7: {  	s30 =	sshrl.u32 s8, $0x1;
	s9 =	sshll.u32 s7, $0x4;
	s3 =	sadd.s32 s4, s3  }
0x8: {  	s0 =	ssub.s32 s8, s30;
	s31 =	sadd.s32 s1, s9;
	[dreg:$0x3] =	wrdreg s3  }
0x9: {  	s13 =	simm.s32 $0x0;
	s10 =	smax.u32 s0, $0x1;
	[dreg:$0x4] =	wrdreg s31  }
.LBB2_1:
0xa: {  	_ =	strace $0x80000048;
	s3 =	simm.s32 $0x4000;
	s31 =	simm.s32 $0x4100  }
0xb: {  	s26 =	simm.s32 $0x0;
	s28 =	simm.s32 $0x0;
	s14 =	simm.s32 $0x0  }
0xc: {  	s15 =	simm.s32 $0x0;
	s16 =	simm.s32 $0x0;
	s0 =	rddreg [dreg:$0x3]  }
0xd: {  	[tilespmem:s2], [sflag:$0x1] =	stream.linear.gather [hbm4b:s0+s2], $0x2000, $0x200038;
	[tilespmem:$0xC100] =	vst v63  }
0xe: {  	s17 =	simm.s32 $0x1;
	s18 =	simm.s32 $0x0;
	s30 =	rddreg [dreg:$0x4]  }
0xf: {  	[tilespmem:s3], [sflag:$0x3] =	stream.linear.gather [hbm4b:s30+s2], $0x80, $0x200038;
	[tilespmem:$0xC100] =	vst v63  }
0x10: {  	s19 =	simm.s32 $0x1;
	s20 =	simm.s32 $0x0;
	s21 =	simm.s32 $0x1  }
0x11: {  	[tilespmem:s31], [sflag:$0x5] =	stream.linear.gather [hbm4b:s5+s2], $0x2000, $0x200038;
	[tilespmem:$0xC100] =	vst v63  }
0x12: {  	s22 =	simm.s32 $0x0;
	s0 =	simm.s32 $0x0;
	_ =	strace $0x90000048  }
.LBB2_2:
0x13: {  	s23 =	sadd.s32 $0x1, s26  }
0x14: {  	s3 =	simm.s32 $0x1;
	p0 =	seq.s32 s23, $0x8  }
0x15: {  	s3 =	simm.s32 @!p0 $0x0  }
0x16: {  	s24 =	sadd.s32 s3, s0  }
0x17: {  	s3 =	simm.s32 $0x1;
	p1 =	seq.s32 s24, $0x10  }
0x18: {  	s3 =	simm.s32 @!p1 $0x0  }
0x19: {  	s25 =	sadd.s32 s3, s28  }
0x1a: {  	p2 =	seq.s32 s25, $0x8  }
0x1b: {  	s24 =	simm.s32 @p1 $0x0;
	s25 =	simm.s32 @p2 $0x0  }
0x1c: {  	s23 =	simm.s32 @p0 $0x0;
	p1 =	sne.s32 s0, s24;
	p2 =	sne.s32 s28, s25  }
0x1d: {  	p0 =	sne.s32 s26, s23;
	p2 =	por p1, p2  }
0x1e: {  	p2 =	por p0, p2  }
0x1f: {  	p3 =	sne.s32 s22, $0x3FF;
	s3 =	simm.s32 @!p2 $0x0  }
0x20: {  	p4 =	por !p3, !p2;
	s3 =	simm.s32 @p2 $0x1  }
0x21: {  	p4 =	por !p4, !p4;
	[smem:$0x7FC] =	sst s3;
	s3 =	sadd.s32 s7, s24  }
0x22: {  	p5 =	por !p3, !p1;
	s12 =	sshll.u32 @p4 s23, $0xD;
	s11 =	sshll.u32 @p4 s3, $0x10  }
0x23: {  	p5 =	por !p5, !p5;
	s29 =	sshll.u32 @p4 s25, $0x19;
	s11 =	sadd.s32 @p4 s12, s11  }
0x24: {  	p3 =	por !p3, !p0;
	s30 =	simm.s32 @p4 $0x0;
	s11 =	sadd.s32 @p4 s29, s11  }
0x25: {  	_ =	strace @p4 $0x80000049;
	s12 =	sand.u32 @p4 $0x1, s21;
	s11 =	sshrl.u32 @p4 s11, $0x3  }
0x26: {  	s29 =	sshll.u32 @p4 s12, $0xD;
	s12 =	sadd.s32 @p4 $0x1, s12;
	s11 =	sadd.s32 @p4 s4, s11  }
0x27: {  	[tilespmem:s29], [sflag:s12] =	stream.linear.gather @p4 [hbm4b:s11+s30], $0x2000, $0x200038;
	[tilespmem:$0xC100] =	vst v63  }
0x28: {  	p6 =	por !p3, !p3;
	s3 =	sshll.u32 @p5 s3, $0x7;
	s11 =	sshll.u32 @p5 s24, $0x7  }
0x29: {  	s3 =	sand.u32 @p5 $0xFFFFFC00, s3;
	s12 =	sand.u32 @p5 $0x1, s19;
	s11 =	sand.u32 @p5 $0x380, s11  }
0x2a: {  	s29 =	simm.s32 @p5 $0x0;
	_ =	strace @p4 $0x90000049;
	s3 =	sor.u32 @p5 s11, s3  }
0x2b: {  	s11 =	sshll.u32 @p5 s12, $0x7;
	_ =	strace @p5 $0x8000004A;
	s3 =	sshrl.u32 @p5 s3, $0x3  }
0x2c: {  	s12 =	sadd.s32 @p5 $0x3, s12;
	s11 =	sor.u32 @p5 $0x4000, s11;
	s3 =	sadd.s32 @p5 s1, s3  }
0x2d: {  	[tilespmem:s11], [sflag:s12] =	stream.linear.gather @p5 [hbm4b:s3+s29], $0x80, $0x200038;
	[tilespmem:$0xC100] =	vst v63  }
0x2e: {  	p3 =	seq.s32 s26, $0x0;
	s30 =	simm.s32 @p6 $0x0;
	s3 =	simm.s32 @!p0 $0x0  }
0x2f: {  	s12 =	sshll.u32 @p6 s23, $0xA;
	s29 =	simm.s32 $0x1;
	s3 =	simm.s32 @p0 $0x1  }
0x30: {  	s12 =	sand.u32 @p6 $0x1FFFFC00, s12;
	[smem:$0x7FD] =	sst s3;
	s3 =	sand.u32 @p6 $0x1, s17  }
0x31: {  	s12 =	sadd.s32 @p6 s5, s12;
	_ =	strace @p5 $0x9000004A;
	s11 =	sshll.u32 @p6 s3, $0xD  }
0x32: {  	s3 =	sadd.s32 @p6 $0x5, s3;
	_ =	strace @p6 $0x8000004B;
	s11 =	sor.u32 @p6 $0x4100, s11  }
0x33: {  	[tilespmem:s11], [sflag:s3] =	stream.linear.gather @p6 [hbm4b:s12+s30], $0x2000, $0x200038;
	[tilespmem:$0xC100] =	vst v63  }
0x34: {  	s29 =	simm.s32 @!p3 $0x0;
	s3 =	sand.u32 $0x1, s20;
	_ =	strace @p6 $0x9000004B  }
0x35: {  	s8 =	ssub.s32 s0, s29;
	s9 =	sadd.s32 $0x1, s3;
	_ =	strace $0x8000004C  }
0x36: {  	p0 =	sne.s32 s0, $0xF;
	p2 =	seq.s32 s8, $0xFFFFFFFF;
	_ =	swait.ge [sflag:s9], $0x2000  }
0x37: {  	p0 =	por @!p2 p3, p3;
	p3 =	seq.s32 s22, $0x0;
	[sflag:s9] =	ssyncset.done $0x0  }
0x38: {  	p0 =	por p3, p0;
	[sflag:s9] =	ssyncadd.s32 $0xFFFFE000  }
0x39: {  	s11 =	sand.u32 @p0 $0x1, s18;
	_ =	strace $0x9000004C  }
0x3a: {  	s11 =	sadd.s32 @p0 $0x3, s11;
	_ =	strace @p0 $0x8000004D  }
0x3b: {  	_ =	swait.ge @p0 [sflag:s11], $0x80  }
0x3c: {  	[sflag:s11] =	ssyncset.done @p0 $0x0  }
0x3d: {  	[sflag:s11] =	ssyncadd.s32 @p0 $0xFFFFFF80  }
0x3e: {  	s11 =	sand.u32 $0x1, s16;
	_ =	strace @p0 $0x9000004D  }
0x3f: {  	s8 =	sadd.s32 $0x5, s11;
	_ =	strace $0x8000004E  }
0x40: {  	_ =	swait.ge [sflag:s8], $0x2000  }
0x41: {  	[sflag:s8] =	ssyncset.done $0x0  }
0x42: {  	[sflag:s8] =	ssyncadd.s32 $0xFFFFE000  }
0x43: {  	s9 =	sshll.u32 s18, $0x7;
	_ =	strace $0x9000004E  }
0x44: {  	s12 =	sand.u32 $0x80, s9;
	_ =	strace $0x8000004F  }
0x45: {  	v0 =	vld [tilespmem:s12+$0x4000]  }
0x46: {  	v1 =	vld [tilespmem:s12+$0x4010]  }
0x47: {  	v2 =	vld [tilespmem:s12+$0x4020]  }
0x48: {  	v3 =	vld [tilespmem:s12+$0x4030]  }
0x49: {  	s11 =	sshll.u32 s11, $0xD;
	v4 =	vld [tilespmem:s12+$0x4040]  }
0x4a: {  	s31 =	sor.u32 $0x4300, s11;
	v5 =	vld [tilespmem:s12+$0x4050]  }
0x4b: {  	s3 =	sshll.u32 s3, $0xD;
	v8 =	vld [tilespmem:s31+$0x180]  }
0x4c: {  	s12 =	sor.u32 $0x200, s3;
	v14 =	vld [tilespmem:s31+$0xFFFFFE80]  }
0x4d: {  	v6 =	vld [tilespmem:s12+$0x180]  }
0x4e: {  	v15 =	vld [tilespmem:s31+$0xFFFFFF00]  }
0x4f: {  	v17 =	vld [tilespmem:s31+$0xFFFFFF80]  }
0x50: {  	v18 =	vld [tilespmem:s31+$0x0]  }
0x51: {  	v7 =	vld [tilespmem:s12+$0xFFFFFE00]  }
0x52: {  	v10 =	vld [tilespmem:s12+$0xFFFFFF00];
	v6 =	vadd.f32 v6, v0  }
0x53: {  	s29 =	sand.u32 $0x1, s15;
	v9 =	vld [tilespmem:s12+$0xFFFFFE80]  }
0x54: {  	s11 =	sshll.u32 s29, $0xD;
	v11 =	vld [tilespmem:s12+$0xFFFFFF80];
	v6 =	vadd.f32 v6, v8  }
0x55: {  	s30 =	sor.u32 $0x8300, s11;
	v12 =	vld [tilespmem:s12+$0x0]  }
0x56: {  	v13 =	vld [tilespmem:s12+$0x80];
	[tilespmem:s30+$0x180] =	vst v6  }
0x57: {  	v10 =	vadd.f32 v10, v0;
	v6 =	vld [tilespmem:s12+$0x190]  }
0x58: {  	v9 =	vadd.f32 v9, v0;
	v8 =	vld [tilespmem:s12+$0x100]  }
0x59: {  	v11 =	vadd.f32 v11, v0;
	v10 =	vadd.f32 v10, v15;
	v16 =	vld [tilespmem:s31+$0x190]  }
0x5a: {  	v9 =	vadd.f32 v9, v14;
	v15 =	vld [tilespmem:s31+$0x100]  }
0x5b: {  	v14 =	vld [tilespmem:s31+$0x80];
	[tilespmem:s30+$0xFFFFFF00] =	vst v10;
	v10 =	vadd.f32 v11, v17  }
0x5c: {  	[tilespmem:s30+$0xFFFFFE80] =	vst v9;
	v9 =	vld [tilespmem:s31+$0xFFFFFE00];
	v6 =	vadd.f32 v6, v1  }
0x5d: {  	v11 =	vadd.f32 v13, v0;
	v13 =	vld [tilespmem:s12+$0xFFFFFF10];
	[tilespmem:s30+$0xFFFFFF80] =	vst v10;
	v8 =	vadd.f32 v8, v0  }
0x5e: {  	v12 =	vadd.f32 v12, v0;
	v17 =	vld [tilespmem:s31+$0xFFFFFF90];
	v6 =	vadd.f32 v6, v16  }
0x5f: {  	v8 =	vadd.f32 v8, v15;
	v15 =	vld [tilespmem:s31+$0xFFFFFF10]  }
0x60: {  	[tilespmem:s30+$0x190] =	vst v6;
	v6 =	vadd.f32 v7, v0;
	v7 =	vadd.f32 v12, v18;
	v12 =	vld [tilespmem:s12+$0xFFFFFF90]  }
0x61: {  	v10 =	vld [tilespmem:s12+$0x1A0]  }
0x62: {  	v11 =	vadd.f32 v11, v14;
	[tilespmem:s30+$0x100] =	vst v8;
	v16 =	vld [tilespmem:s12+$0xFFFFFE90]  }
0x63: {  	[tilespmem:s30+$0x0] =	vst v7;
	v6 =	vadd.f32 v6, v9;
	v7 =	vld [tilespmem:s31+$0x1A0]  }
0x64: {  	[tilespmem:s30+$0x80] =	vst v11;
	v11 =	vld [tilespmem:s12+$0x110]  }
0x65: {  	v9 =	vld [tilespmem:s12+$0x10];
	[tilespmem:s30+$0xFFFFFE00] =	vst v6;
	v12 =	vadd.f32 v12, v1  }
0x66: {  	v8 =	vld [tilespmem:s12+$0xFFFFFE10];
	v10 =	vadd.f32 v10, v2  }
0x67: {  	v6 =	vld [tilespmem:s12+$0x90];
	v12 =	vadd.f32 v12, v17  }
0x68: {  	v14 =	vld [tilespmem:s31+$0xFFFFFE10];
	v7 =	vadd.f32 v10, v7  }
0x69: {  	v10 =	vld [tilespmem:s31+$0xFFFFFE90];
	[tilespmem:s30+$0xFFFFFF90] =	vst v12  }
0x6a: {  	[tilespmem:s30+$0x1A0] =	vst v7;
	v12 =	vld [tilespmem:s12+$0xFFFFFFA0]  }
0x6b: {  	v8 =	vadd.f32 v8, v1;
	v7 =	vld [tilespmem:s12+$0x1B0]  }
0x6c: {  	v16 =	vadd.f32 v16, v1;
	v18 =	vld [tilespmem:s31+$0x1B0]  }
0x6d: {  	v13 =	vadd.f32 v13, v1;
	v8 =	vadd.f32 v8, v14;
	v14 =	vld [tilespmem:s31+$0x10]  }
0x6e: {  	v10 =	vadd.f32 v16, v10;
	v16 =	vld [tilespmem:s31+$0x90]  }
0x6f: {  	[tilespmem:s30+$0xFFFFFE10] =	vst v8;
	v8 =	vadd.f32 v13, v15;
	v13 =	vld [tilespmem:s31+$0x110]  }
0x70: {  	[tilespmem:s30+$0xFFFFFE90] =	vst v10;
	v10 =	vld [tilespmem:s12+$0xFFFFFE20]  }
0x71: {  	v9 =	vadd.f32 v9, v1;
	[tilespmem:s30+$0xFFFFFF10] =	vst v8;
	v8 =	vld [tilespmem:s12+$0xFFFFFEA0]  }
0x72: {  	v7 =	vadd.f32 v7, v3;
	v15 =	vld [tilespmem:s12+$0xFFFFFF20]  }
0x73: {  	v6 =	vadd.f32 v6, v1;
	v9 =	vadd.f32 v9, v14;
	v14 =	vld [tilespmem:s31+$0xFFFFFE20]  }
0x74: {  	v11 =	vadd.f32 v11, v1;
	v17 =	vld [tilespmem:s31+$0xFFFFFF20];
	v7 =	vadd.f32 v7, v18  }
0x75: {  	v6 =	vadd.f32 v6, v16;
	v16 =	vld [tilespmem:s31+$0xFFFFFEA0];
	[tilespmem:s30+$0x10] =	vst v9  }
0x76: {  	v9 =	vadd.f32 v11, v13;
	[tilespmem:s30+$0x1B0] =	vst v7;
	v11 =	vld [tilespmem:s12+$0x20]  }
0x77: {  	[tilespmem:s30+$0x90] =	vst v6;
	v10 =	vadd.f32 v10, v2;
	v7 =	vld [tilespmem:s12+$0x1C0]  }
0x78: {  	[tilespmem:s30+$0x110] =	vst v9;
	v9 =	vld [tilespmem:s12+$0xA0]  }
0x79: {  	v6 =	vld [tilespmem:s31+$0x1C0];
	v15 =	vadd.f32 v15, v2;
	v10 =	vadd.f32 v10, v14  }
0x7a: {  	v14 =	vld [tilespmem:s31+$0xA0]  }
0x7b: {  	v18 =	vld [tilespmem:s31+$0x20];
	[tilespmem:s30+$0xFFFFFE20] =	vst v10;
	v10 =	vadd.f32 v15, v17  }
0x7c: {  	v13 =	vld [tilespmem:s12+$0x120];
	v7 =	vadd.f32 v7, v4  }
0x7d: {  	v15 =	vld [tilespmem:s31+$0x120];
	v9 =	vadd.f32 v9, v2;
	[tilespmem:s30+$0xFFFFFF20] =	vst v10  }
0x7e: {  	v17 =	vld [tilespmem:s31+$0xFFFFFF30];
	v6 =	vadd.f32 v7, v6  }
0x7f: {  	v11 =	vadd.f32 v11, v2;
	v7 =	vld [tilespmem:s31+$0xFFFFFFA0];
	v9 =	vadd.f32 v9, v14  }
0x80: {  	v14 =	vld [tilespmem:s31+$0xFFFFFE30];
	[tilespmem:s30+$0x1C0] =	vst v6;
	v6 =	vadd.f32 v8, v2  }
0x81: {  	v10 =	vadd.f32 v11, v18;
	[tilespmem:s30+$0xA0] =	vst v9;
	v8 =	vld [tilespmem:s12+$0x1D0]  }
0x82: {  	v12 =	vadd.f32 v12, v2;
	v19 =	vld [tilespmem:s31+$0xB0];
	v6 =	vadd.f32 v6, v16  }
0x83: {  	[tilespmem:s30+$0x20] =	vst v10;
	v16 =	vld [tilespmem:s31+$0x1D0]  }
0x84: {  	[tilespmem:s30+$0xFFFFFEA0] =	vst v6;
	v6 =	vadd.f32 v12, v7;
	v7 =	vld [tilespmem:s12+$0xFFFFFE30]  }
0x85: {  	v12 =	vadd.f32 v13, v2;
	v13 =	vld [tilespmem:s12+$0x30]  }
0x86: {  	v11 =	vld [tilespmem:s12+$0xFFFFFEB0]  }
0x87: {  	[tilespmem:s30+$0xFFFFFFA0] =	vst v6;
	v6 =	vld [tilespmem:s12+$0xFFFFFF30]  }
0x88: {  	v9 =	vadd.f32 v12, v15;
	v15 =	vld [tilespmem:s31+$0xFFFFFEB0]  }
0x89: {  	v10 =	vld [tilespmem:s12+$0xFFFFFFB0]  }
0x8a: {  	v12 =	vld [tilespmem:s12+$0xB0];
	v7 =	vadd.f32 v7, v3  }
0x8b: {  	v18 =	vld [tilespmem:s31+$0xFFFFFFB0];
	[tilespmem:s30+$0x120] =	vst v9  }
0x8c: {  	v9 =	vld [tilespmem:s12+$0x130];
	v11 =	vadd.f32 v11, v3;
	v7 =	vadd.f32 v7, v14  }
0x8d: {  	v14 =	vld [tilespmem:s31+$0x30];
	v6 =	vadd.f32 v6, v3  }
0x8e: {  	v10 =	vadd.f32 v10, v3;
	[tilespmem:s30+$0xFFFFFE30] =	vst v7;
	v7 =	vadd.f32 v11, v15;
	v11 =	vld [tilespmem:s31+$0x130]  }
0x8f: {  	v6 =	vadd.f32 v6, v17;
	v15 =	vld [tilespmem:s12+$0xFFFFFE40]  }
0x90: {  	v13 =	vadd.f32 v13, v3;
	v17 =	vld [tilespmem:s31+$0xFFFFFE40];
	[tilespmem:s30+$0xFFFFFEB0] =	vst v7;
	v7 =	vadd.f32 v10, v18  }
0x91: {  	v12 =	vadd.f32 v12, v3;
	[tilespmem:s30+$0xFFFFFF30] =	vst v6;
	v10 =	vld [tilespmem:s12+$0xFFFFFEC0]  }
0x92: {  	v9 =	vadd.f32 v9, v3;
	v6 =	vadd.f32 v13, v14;
	v13 =	vld [tilespmem:s12+$0xFFFFFF40];
	[tilespmem:s30+$0xFFFFFFB0] =	vst v7  }
0x93: {  	v7 =	vadd.f32 v12, v19;
	v12 =	vld [tilespmem:s12+$0xFFFFFFC0]  }
0x94: {  	[tilespmem:s30+$0x30] =	vst v6;
	v6 =	vadd.f32 v9, v11;
	v11 =	vld [tilespmem:s31+$0xFFFFFEC0]  }
0x95: {  	v18 =	vld [tilespmem:s31+$0xFFFFFFC0]  }
0x96: {  	v9 =	vld [tilespmem:s12+$0x40]  }
0x97: {  	[tilespmem:s30+$0xB0] =	vst v7;
	v14 =	vadd.f32 v15, v4;
	v15 =	vld [tilespmem:s31+$0xFFFFFF40]  }
0x98: {  	v7 =	vld [tilespmem:s12+$0xC0]  }
0x99: {  	[tilespmem:s30+$0x130] =	vst v6;
	v19 =	vld [tilespmem:s31+$0xC0]  }
0x9a: {  	v6 =	vld [tilespmem:s12+$0x140];
	v14 =	vadd.f32 v14, v17;
	v10 =	vadd.f32 v10, v4  }
0x9b: {  	v17 =	vld [tilespmem:s31+$0x40]  }
0x9c: {  	v13 =	vadd.f32 v13, v4;
	[tilespmem:s30+$0xFFFFFE40] =	vst v14;
	v10 =	vadd.f32 v10, v11;
	v11 =	vld [tilespmem:s31+$0x140]  }
0x9d: {  	v12 =	vadd.f32 v12, v4;
	v14 =	vld [tilespmem:s12+$0xFFFFFE50]  }
0x9e: {  	v9 =	vadd.f32 v9, v4;
	v13 =	vadd.f32 v13, v15;
	[tilespmem:s30+$0xFFFFFEC0] =	vst v10;
	v10 =	vld [tilespmem:s31+$0xFFFFFE50]  }
0x9f: {  	v7 =	vadd.f32 v7, v4;
	v12 =	vadd.f32 v12, v18;
	v15 =	vld [tilespmem:s12+$0xFFFFFED0]  }
0xa0: {  	v6 =	vadd.f32 v6, v4;
	[tilespmem:s30+$0xFFFFFF40] =	vst v13;
	v9 =	vadd.f32 v9, v17;
	v20 =	vld [tilespmem:s31+$0xFFFFFED0]  }
0xa1: {  	v13 =	vld [tilespmem:s12+$0xFFFFFF50];
	[tilespmem:s30+$0xFFFFFFC0] =	vst v12;
	v7 =	vadd.f32 v7, v19  }
0xa2: {  	v17 =	vld [tilespmem:s12+$0xFFFFFFD0];
	[tilespmem:s30+$0x40] =	vst v9;
	v6 =	vadd.f32 v6, v11  }
0xa3: {  	v11 =	vld [tilespmem:s12+$0x50];
	[tilespmem:s30+$0xC0] =	vst v7  }
0xa4: {  	v18 =	vld [tilespmem:s12+$0xD0];
	[tilespmem:s30+$0x140] =	vst v6;
	v6 =	vadd.f32 v8, v5  }
0xa5: {  	v7 =	vadd.f32 v14, v5;
	v19 =	vld [tilespmem:s12+$0x150]  }
0xa6: {  	s9 =	simm.s32 $0x1;
	v14 =	vadd.f32 v6, v16;
	v6 =	vld [tilespmem:s31+$0xFFFFFF50]  }
0xa7: {  	s9 =	simm.s32 @!p6 $0x0;
	s8 =	simm.s32 $0x1;
	s3 =	simm.s32 $0x1;
	v15 =	vadd.f32 v15, v5;
	v16 =	vadd.f32 v7, v10;
	v7 =	vld [tilespmem:s31+$0xFFFFFFD0]  }
0xa8: {  	s17 =	sadd.s32 s9, s17;
	s8 =	simm.s32 @!p5 $0x0;
	s3 =	simm.s32 @!p4 $0x0;
	v8 =	vld [tilespmem:s31+$0x50];
	v12 =	vadd.f32 v13, v5;
	v9 =	vadd.f32 v17, v5;
	[tilespmem:s30+$0x1D0] =	vst v14  }
0xa9: {  	s19 =	sadd.s32 s8, s19;
	s21 =	sadd.s32 s3, s21;
	s3 =	sadd.s32 s7, s0;
	v13 =	vadd.f32 v11, v5;
	v14 =	vld [tilespmem:s31+$0xD0];
	[tilespmem:s30+$0xFFFFFE50] =	vst v16;
	v16 =	vadd.f32 v15, v20  }
0xaa: {  	s0 =	sor.u32 $0x8100, s11;
	s11 =	simm.s32 $0x0;
	s12 =	sadd.s32 $0x400, s12;
	v15 =	vld [tilespmem:s31+$0x150];
	v10 =	vadd.f32 v18, v5;
	v11 =	vadd.f32 v19, v5  }
.LBB2_3:
0xab: {  	v17 =	vld [tilespmem:s12+$0x180];
	s11 =	sadd.s32 $0x8, s11;
	v6 =	vadd.f32 v12, v6  }
0xac: {  	s31 =	sadd.s32 $0x400, s31;
	v12 =	vld [tilespmem:s12+$0xFFFFFE00];
	p4 =	slt.u32 s11, $0x38;
	[tilespmem:s30+$0xFFFFFED0] =	vst v16;
	v7 =	vadd.f32 v9, v7  }
0xad: {  	v9 =	vld [tilespmem:s31+$0x180];
	[tilespmem:s30+$0xFFFFFF50] =	vst v6;
	v6 =	vadd.f32 v13, v8  }
0xae: {  	v8 =	vld [tilespmem:s12+$0xFFFFFE80];
	[tilespmem:s30+$0xFFFFFFD0] =	vst v7;
	v7 =	vadd.f32 v10, v14  }
0xaf: {  	v10 =	vld [tilespmem:s12+$0xFFFFFF00];
	[tilespmem:s30+$0x50] =	vst v6;
	v6 =	vadd.f32 v11, v15  }
0xb0: {  	v11 =	vld [tilespmem:s12+$0xFFFFFF80];
	v13 =	vadd.f32 v17, v0;
	[tilespmem:s30+$0xD0] =	vst v7  }
0xb1: {  	v7 =	vadd.f32 v12, v0;
	v12 =	vld [tilespmem:s12+$0x0];
	[tilespmem:s30+$0x150] =	vst v6  }
0xb2: {  	v6 =	vld [tilespmem:s12+$0x80];
	v9 =	vadd.f32 v13, v9  }
0xb3: {  	s30 =	sadd.s32 $0x400, s30;
	v8 =	vadd.f32 v8, v0;
	v13 =	vld [tilespmem:s12+$0x100]  }
0xb4: {  	v14 =	vld [tilespmem:s31+$0xFFFFFE80];
	v10 =	vadd.f32 v10, v0;
	[tilespmem:s30+$0x180] =	vst v9  }
0xb5: {  	v9 =	vadd.f32 v11, v0;
	v11 =	vld [tilespmem:s12+$0x190]  }
0xb6: {  	v15 =	vld [tilespmem:s31+$0xFFFFFF00];
	v12 =	vadd.f32 v12, v0  }
0xb7: {  	v6 =	vadd.f32 v6, v0;
	v16 =	vld [tilespmem:s31+$0x190]  }
0xb8: {  	v17 =	vld [tilespmem:s31+$0xFFFFFF80];
	v13 =	vadd.f32 v13, v0  }
0xb9: {  	v8 =	vadd.f32 v8, v14;
	v14 =	vld [tilespmem:s31+$0x0]  }
0xba: {  	v18 =	vld [tilespmem:s31+$0x80];
	v11 =	vadd.f32 v11, v1  }
0xbb: {  	[tilespmem:s30+$0xFFFFFE80] =	vst v8;
	v8 =	vadd.f32 v10, v15;
	v10 =	vld [tilespmem:s31+$0x100]  }
0xbc: {  	v15 =	vld [tilespmem:s31+$0xFFFFFE00];
	v11 =	vadd.f32 v11, v16  }
0xbd: {  	v16 =	vld [tilespmem:s12+$0xFFFFFE90];
	[tilespmem:s30+$0xFFFFFF00] =	vst v8;
	v8 =	vadd.f32 v9, v17  }
0xbe: {  	v9 =	vld [tilespmem:s12+$0xFFFFFF10];
	v12 =	vadd.f32 v12, v14;
	[tilespmem:s30+$0x190] =	vst v11  }
0xbf: {  	[tilespmem:s30+$0xFFFFFF80] =	vst v8;
	v6 =	vadd.f32 v6, v18;
	v8 =	vld [tilespmem:s12+$0x1A0]  }
0xc0: {  	v11 =	vld [tilespmem:s12+$0xFFFFFF90];
	[tilespmem:s30+$0x0] =	vst v12;
	v10 =	vadd.f32 v13, v10  }
0xc1: {  	v7 =	vadd.f32 v7, v15;
	[tilespmem:s30+$0x80] =	vst v6;
	v6 =	vld [tilespmem:s31+$0x1A0]  }
0xc2: {  	v12 =	vadd.f32 v16, v1;
	v13 =	vld [tilespmem:s12+$0x10];
	[tilespmem:s30+$0x100] =	vst v10  }
0xc3: {  	[tilespmem:s30+$0xFFFFFE00] =	vst v7;
	v7 =	vadd.f32 v9, v1;
	v9 =	vld [tilespmem:s12+$0x90]  }
0xc4: {  	v10 =	vld [tilespmem:s12+$0xFFFFFE10];
	v8 =	vadd.f32 v8, v2  }
0xc5: {  	v11 =	vadd.f32 v11, v1;
	v14 =	vld [tilespmem:s12+$0x110]  }
0xc6: {  	v15 =	vld [tilespmem:s31+$0xFFFFFE10];
	v6 =	vadd.f32 v8, v6  }
0xc7: {  	v8 =	vld [tilespmem:s31+$0xFFFFFE90];
	v13 =	vadd.f32 v13, v1  }
0xc8: {  	v16 =	vld [tilespmem:s31+$0xFFFFFF10];
	v9 =	vadd.f32 v9, v1;
	[tilespmem:s30+$0x1A0] =	vst v6  }
0xc9: {  	v6 =	vadd.f32 v10, v1;
	v10 =	vld [tilespmem:s12+$0x1B0]  }
0xca: {  	v17 =	vld [tilespmem:s31+$0xFFFFFF90];
	v14 =	vadd.f32 v14, v1  }
0xcb: {  	v6 =	vadd.f32 v6, v15;
	v15 =	vld [tilespmem:s31+$0x1B0]  }
0xcc: {  	v8 =	vadd.f32 v12, v8;
	v12 =	vld [tilespmem:s31+$0x10]  }
0xcd: {  	[tilespmem:s30+$0xFFFFFE10] =	vst v6;
	v6 =	vadd.f32 v7, v16;
	v7 =	vld [tilespmem:s31+$0x90]  }
0xce: {  	[tilespmem:s30+$0xFFFFFE90] =	vst v8;
	v8 =	vld [tilespmem:s31+$0x110];
	v10 =	vadd.f32 v10, v3  }
0xcf: {  	v16 =	vld [tilespmem:s12+$0xFFFFFE20];
	[tilespmem:s30+$0xFFFFFF10] =	vst v6;
	v6 =	vadd.f32 v11, v17  }
0xd0: {  	v11 =	vld [tilespmem:s12+$0xFFFFFEA0];
	v10 =	vadd.f32 v10, v15  }
0xd1: {  	v15 =	vld [tilespmem:s12+$0xFFFFFF20];
	[tilespmem:s30+$0xFFFFFF90] =	vst v6;
	v6 =	vadd.f32 v13, v12  }
0xd2: {  	v12 =	vld [tilespmem:s12+$0xFFFFFFA0];
	v7 =	vadd.f32 v9, v7;
	[tilespmem:s30+$0x1B0] =	vst v10  }
0xd3: {  	[tilespmem:s30+$0x10] =	vst v6;
	v6 =	vadd.f32 v14, v8;
	v8 =	vld [tilespmem:s12+$0x1C0]  }
0xd4: {  	v9 =	vadd.f32 v16, v2;
	v10 =	vld [tilespmem:s12+$0x20];
	[tilespmem:s30+$0x90] =	vst v7  }
0xd5: {  	v7 =	vadd.f32 v11, v2;
	[tilespmem:s30+$0x110] =	vst v6;
	v6 =	vld [tilespmem:s31+$0x1C0]  }
0xd6: {  	v11 =	vadd.f32 v15, v2;
	v13 =	vld [tilespmem:s12+$0xA0]  }
0xd7: {  	v12 =	vadd.f32 v12, v2;
	v14 =	vld [tilespmem:s12+$0x120]  }
0xd8: {  	v15 =	vld [tilespmem:s31+$0xFFFFFE20];
	v8 =	vadd.f32 v8, v4  }
0xd9: {  	v16 =	vld [tilespmem:s31+$0xFFFFFEA0];
	v10 =	vadd.f32 v10, v2  }
0xda: {  	v17 =	vld [tilespmem:s31+$0xFFFFFF20];
	v6 =	vadd.f32 v8, v6  }
0xdb: {  	v8 =	vld [tilespmem:s31+$0xFFFFFFA0];
	v13 =	vadd.f32 v13, v2  }
0xdc: {  	v18 =	vld [tilespmem:s31+$0x20];
	v14 =	vadd.f32 v14, v2;
	[tilespmem:s30+$0x1C0] =	vst v6  }
0xdd: {  	v6 =	vadd.f32 v9, v15;
	v9 =	vld [tilespmem:s12+$0x1D0]  }
0xde: {  	v7 =	vadd.f32 v7, v16;
	v15 =	vld [tilespmem:s31+$0xA0]  }
0xdf: {  	[tilespmem:s30+$0xFFFFFE20] =	vst v6;
	v6 =	vadd.f32 v11, v17;
	v11 =	vld [tilespmem:s31+$0x1D0]  }
0xe0: {  	[tilespmem:s30+$0xFFFFFEA0] =	vst v7;
	v7 =	vadd.f32 v12, v8;
	v8 =	vld [tilespmem:s31+$0x120]  }
0xe1: {  	v12 =	vld [tilespmem:s12+$0xFFFFFE30];
	[tilespmem:s30+$0xFFFFFF20] =	vst v6;
	v6 =	vadd.f32 v10, v18  }
0xe2: {  	v10 =	vld [tilespmem:s12+$0xFFFFFEB0];
	[tilespmem:s30+$0xFFFFFFA0] =	vst v7;
	v7 =	vadd.f32 v9, v5  }
0xe3: {  	v9 =	vld [tilespmem:s12+$0xFFFFFF30];
	[tilespmem:s30+$0x20] =	vst v6;
	v6 =	vadd.f32 v13, v15  }
0xe4: {  	v13 =	vld [tilespmem:s12+$0xFFFFFFB0];
	v7 =	vadd.f32 v7, v11  }
0xe5: {  	v11 =	vld [tilespmem:s12+$0x30];
	[tilespmem:s30+$0xA0] =	vst v6;
	v6 =	vadd.f32 v14, v8  }
0xe6: {  	v8 =	vadd.f32 v12, v3;
	v12 =	vld [tilespmem:s12+$0xB0];
	[tilespmem:s30+$0x1D0] =	vst v7  }
0xe7: {  	v7 =	vld [tilespmem:s31+$0xFFFFFE30];
	v10 =	vadd.f32 v10, v3;
	[tilespmem:s30+$0x120] =	vst v6  }
0xe8: {  	v6 =	vadd.f32 v9, v3;
	v9 =	vld [tilespmem:s12+$0x130]  }
0xe9: {  	v14 =	vld [tilespmem:s31+$0xFFFFFEB0];
	v13 =	vadd.f32 v13, v3  }
0xea: {  	v15 =	vld [tilespmem:s31+$0xFFFFFF30];
	v11 =	vadd.f32 v11, v3  }
0xeb: {  	v16 =	vld [tilespmem:s31+$0xFFFFFFB0];
	v12 =	vadd.f32 v12, v3  }
0xec: {  	v7 =	vadd.f32 v8, v7;
	v8 =	vld [tilespmem:s31+$0x30]  }
0xed: {  	v17 =	vld [tilespmem:s31+$0xB0];
	v9 =	vadd.f32 v9, v3  }
0xee: {  	[tilespmem:s30+$0xFFFFFE30] =	vst v7;
	v7 =	vadd.f32 v10, v14;
	v10 =	vld [tilespmem:s31+$0x130]  }
0xef: {  	v14 =	vld [tilespmem:s12+$0xFFFFFE40];
	v6 =	vadd.f32 v6, v15  }
0xf0: {  	v15 =	vld [tilespmem:s31+$0xFFFFFE40];
	[tilespmem:s30+$0xFFFFFEB0] =	vst v7;
	v7 =	vadd.f32 v13, v16  }
0xf1: {  	v13 =	vld [tilespmem:s12+$0xFFFFFEC0];
	[tilespmem:s30+$0xFFFFFF30] =	vst v6;
	v6 =	vadd.f32 v11, v8  }
0xf2: {  	v8 =	vld [tilespmem:s12+$0xFFFFFF40];
	[tilespmem:s30+$0xFFFFFFB0] =	vst v7;
	v7 =	vadd.f32 v12, v17  }
0xf3: {  	v11 =	vld [tilespmem:s12+$0xFFFFFFC0];
	[tilespmem:s30+$0x30] =	vst v6;
	v6 =	vadd.f32 v9, v10  }
0xf4: {  	v9 =	vadd.f32 v14, v4;
	v10 =	vld [tilespmem:s12+$0x40];
	[tilespmem:s30+$0xB0] =	vst v7  }
0xf5: {  	v7 =	vld [tilespmem:s12+$0xC0];
	[tilespmem:s30+$0x130] =	vst v6  }
0xf6: {  	v6 =	vadd.f32 v9, v15;
	v9 =	vadd.f32 v13, v4;
	v12 =	vld [tilespmem:s12+$0x140]  }
0xf7: {  	v13 =	vld [tilespmem:s31+$0xFFFFFEC0];
	v8 =	vadd.f32 v8, v4  }
0xf8: {  	[tilespmem:s30+$0xFFFFFE40] =	vst v6;
	v6 =	vld [tilespmem:s31+$0xFFFFFF40];
	v11 =	vadd.f32 v11, v4  }
0xf9: {  	v14 =	vld [tilespmem:s31+$0xFFFFFFC0];
	v10 =	vadd.f32 v10, v4  }
0xfa: {  	v15 =	vld [tilespmem:s31+$0x40];
	v7 =	vadd.f32 v7, v4  }
0xfb: {  	v16 =	vld [tilespmem:s31+$0xC0];
	v12 =	vadd.f32 v12, v4  }
0xfc: {  	v9 =	vadd.f32 v9, v13;
	v13 =	vld [tilespmem:s31+$0x140]  }
0xfd: {  	v17 =	vld [tilespmem:s12+$0xFFFFFE50];
	v6 =	vadd.f32 v8, v6  }
0xfe: {  	v8 =	vld [tilespmem:s31+$0xFFFFFE50];
	[tilespmem:s30+$0xFFFFFEC0] =	vst v9;
	v9 =	vadd.f32 v11, v14  }
0xff: {  	v11 =	vld [tilespmem:s12+$0xFFFFFED0];
	[tilespmem:s30+$0xFFFFFF40] =	vst v6;
	v6 =	vadd.f32 v10, v15  }
0x100: {  	v10 =	vld [tilespmem:s12+$0xFFFFFF50];
	[tilespmem:s30+$0xFFFFFFC0] =	vst v9;
	v7 =	vadd.f32 v7, v16  }
0x101: {  	v9 =	vld [tilespmem:s12+$0xFFFFFFD0];
	[tilespmem:s30+$0x40] =	vst v6;
	v6 =	vadd.f32 v12, v13  }
0x102: {  	v12 =	vadd.f32 v17, v5;
	v13 =	vld [tilespmem:s12+$0x50];
	[tilespmem:s30+$0xC0] =	vst v7  }
0x103: {  	v14 =	vld [tilespmem:s12+$0xD0];
	[tilespmem:s30+$0x140] =	vst v6  }
0x104: {  	v6 =	vadd.f32 v12, v8;
	v15 =	vadd.f32 v11, v5;
	v11 =	vld [tilespmem:s12+$0x150]  }
0x105: {  	v16 =	vld [tilespmem:s31+$0xFFFFFED0];
	v12 =	vadd.f32 v10, v5  }
.Ltmp0:
0x106: {  	[tilespmem:s30+$0xFFFFFE50] =	vst v6;
	v6 =	vld [tilespmem:s31+$0xFFFFFF50];
	v9 =	vadd.f32 v9, v5;
	(pc) =	sbr.rel @p4 .LBB2_3-.Ltmp0, $4  }
0x107: {  	v7 =	vld [tilespmem:s31+$0xFFFFFFD0];
	v13 =	vadd.f32 v13, v5  }
0x108: {  	v8 =	vld [tilespmem:s31+$0x50];
	v10 =	vadd.f32 v14, v5  }
0x109: {  	v14 =	vld [tilespmem:s31+$0xD0];
	v11 =	vadd.f32 v11, v5  }
0x10a: {  	s12 =	sadd.s32 $0x400, s12;
	v16 =	vadd.f32 v15, v16;
	v15 =	vld [tilespmem:s31+$0x150]  }
0x10b: {  	v0 =	vadd.f32 v12, v6  }
0x10c: {  	[tilespmem:s30+$0xFFFFFED0] =	vst v16;
	v1 =	vadd.f32 v9, v7  }
0x10d: {  	[tilespmem:s30+$0xFFFFFF50] =	vst v0;
	v61 =	vadd.f32 v13, v8  }
0x10e: {  	[tilespmem:s30+$0xFFFFFFD0] =	vst v1  }
0x10f: {  	[tilespmem:s30+$0x50] =	vst v61  }
0x110: {  	s8 =	sld [smem:$0x7FC];
	_ =	sdelay $0x2  }
0x111: {  	p4 =	seq.s32 s22, $0x3FF;
	v62 =	vadd.f32 v10, v14;
	p0 =	seq.s32 s8, $0x1  }
0x112: {  	v63 =	vadd.f32 v11, v15;
	p2 =	por p4, p0  }
0x113: {  	[tilespmem:s30+$0xD0] =	vst v62;
	s8 =	sshll.u32 @p2 s28, $0x19;
	s3 =	sshll.u32 @p2 s3, $0x10  }
0x114: {  	[tilespmem:s30+$0x150] =	vst v63;
	s3 =	sadd.s32 @p2 s8, s3;
	s8 =	sshll.u32 @p2 s26, $0xD  }
0x115: {  	_ =	strace $0x9000004F;
	s3 =	sadd.s32 @p2 s8, s3  }
0x116: {  	_ =	strace @p2 $0x80000050;
	s3 =	sshrl.u32 @p2 s3, $0x3  }
0x117: {  	s9 =	simm.s32 @p2 $0x0;
	s8 =	sadd.s32 @p2 $0x7, s29;
	s3 =	sadd.s32 @p2 s6, s3  }
0x118: {  	[hbm4b:s3+s9] =	stream.linear.scatter @p2 [tilespmem:s0], [sflag:s8], $0x2000, $0x200038;
	[tilespmem:$0xC100] =	vst v63  }
0x119: {  	s0 =	sand.u32 @!p3 $0x1, s14;
	_ =	strace @p2 $0x90000050  }
0x11a: {  	s0 =	sadd.s32 @!p3 $0x7, s0;
	_ =	strace @!p3 $0x80000051  }
0x11b: {  	_ =	swait.ge @!p3 [sflag:s0], $0x2000  }
0x11c: {  	p0 =	sne.s32 s22, $0x0;
	[sflag:s0] =	ssyncset.done @!p3 $0x0  }
0x11d: {  	s22 =	sadd.s32 $0x1, s22;
	[sflag:s0] =	ssyncadd.s32 @!p3 $0xFFFFE000;
	s0 =	simm.s32 $0x1  }
0x11e: {  	_ =	strace @!p3 $0x90000051;
	s0 =	simm.s32 @!p0 $0x0;
	p0 =	por p4, p1  }
0x11f: {  	s14 =	sadd.s32 s0, s14;
	s0 =	simm.s32 $0x1;
	s31 =	sld [smem:$0x7FD]  }
0x120: {  	s0 =	simm.s32 @!p0 $0x0;
	p0 =	sne.s32 s22, $0x400  }
.Ltmp1:
0x121: {  	s28 =	smov.u32 s25;
	(pc) =	sbr.rel @p0 .LBB2_2-.Ltmp1, $4  }
0x122: {  	s26 =	smov.u32 s23;
	s3 =	simm.s32 $0x1;
	p6 =	seq.s32 s31, $0x1  }
0x123: {  	s8 =	simm.s32 $0x1;
	s3 =	simm.s32 @!p2 $0x0;
	p1 =	por p4, p6  }
0x124: {  	s15 =	sadd.s32 s3, s15;
	s20 =	sadd.s32 s3, s20;
	s8 =	simm.s32 @!p1 $0x0  }
0x125: {  	s18 =	sadd.s32 s0, s18;
	s0 =	smov.u32 s24;
	s16 =	sadd.s32 s8, s16  }
0x126: {  	s13 =	sadd.s32 $0x1, s13  }
0x127: {  	s0 =	sand.u32 $0x1, s14;
	p0 =	sne.s32 s13, s10  }
.Ltmp2:
0x128: {  	_ =	strace $0x80000052;
	s0 =	sadd.s32 $0x7, s0;
	(pc) =	sbr.rel @p0 .LBB2_1-.Ltmp2, $4  }
0x129: {  	_ =	swait.ge [sflag:s0], $0x2000  }
0x12a: {  	[sflag:s0] =	ssyncset.done $0x0  }
0x12b: {  	[sflag:s0] =	ssyncadd.s32 $0xFFFFE000  }
0x12c: {  	_ =	strace $0x90000052  }
0x12d: {  	_ =	sfence.sel $0x180000  }
0x12e: {  	[bflag:$0x0] =	sbarrier.arrive $0xFFFF  }
0x12f: {  	_ =	strace $0x90000047  }
0x130: {  	s0 =	stileid.u32;
	[bflag:$0x2] =	sbarrier.arrive $0xFFFF  }
0x131: {  	p0 =	sne.s32 s0, $0x0;
	s0 =	rddreg [dreg:$0x2]  }
0x132: {  	s0 =	sadd.s32 @!p0 $0x100000, s0  }
0x133: {  	[sflag:s0] =	ssyncadd.tile.s32 @!p0 $0x1;
	_ =	shalt  }
.Lfunc_end2:
_tile_overlayer_lowered:
.L_overlay_start_2:
0x134: {  	(tag) =	ssettag $0x2  }
0x135: {  	s0 =	rddreg [dreg:$0x0];
	s2 =	stileid.u32  }
0x136: {  	s1 =	rddreg [dreg:$0x1];
	p0 =	sne.s32 s2, $0x0  }
0x137: {  	s3 =	rddreg [dreg:$0x2];
	[bflag:$0x3] =	sbarrier.arrive $0xFFFF;
	s2 =	simm.s32 @!p0 $0x1C01  }
0x138: {  	[timem:s3], [sflag:s2] =	dma.local @!p0 [hbm:s0], s1  }
0x139: {  	s0 =	simm.s32 @!p0 $0x1  }
0x13a: {  	_ =	swait.ge @!p0 [sflag:s0], s1  }
0x13b: {  	s1 =	ssub.s32 @!p0 $0x0, s1;
	[sflag:s0] =	ssyncset.done @!p0 $0x0  }
0x13c: {  	[sflag:s0] =	ssyncadd.s32 @!p0 s1  }
0x13d: {  	[bflag:$0x3] =	sbarrier.arrive $0xFFFF  }
0x13e: {  	_ =	shalt  }

</sc_bundles>
